<compile_context>
chip_gen: v7x
topology: tpu7x:2x2x1
jax: 0.10.2.dev20260603
libtpu: 0.0.44.dev20260713+nightly
codegen_flags: <defaults>
</compile_context>

<pallas_src>
import functools

import jax
import jax.numpy as jnp
from jax import lax
from jax.experimental import pallas as pl
from jax.experimental.pallas import tpu as pltpu
from jax.experimental.pallas import tpu_sc as plsc

N = 10000
E = 320000
D = 128
NC = 2
NS = 16
NW = NC * NS
K = 80
CH = 125
EPT = CH * K
NP = 10240
ROWS_PER_TILE = NP // NS

_MESH = plsc.VectorSubcoreMesh(core_axis_name="c", subcore_axis_name="s",
                               num_cores=NC, num_subcores=NS)


def _sc_agg_body(x_hbm, srcf_hbm, dst_hbm, agg_out, src_f, dst_v, buf,
                 agg_sh, sem0, sem1):
    c = lax.axis_index("c")
    s = lax.axis_index("s")
    w = c * NS + s

    zeros16 = jnp.zeros((16,), jnp.float32)

    def _zero_buf_row(r, carry):
        for j in range(D // 16):
            buf[0, r, pl.ds(j * 16, 16)] = zeros16
        return carry
    lax.fori_loop(0, K, _zero_buf_row, 0)

    base = s * ROWS_PER_TILE

    def _init(i, carry):
        pltpu.sync_copy(buf.at[0], agg_sh.at[pl.ds(base + i * K, K), :])
        return carry
    lax.fori_loop(0, ROWS_PER_TILE // K, _init, 0)

    pltpu.sync_copy(srcf_hbm.at[w], src_f)
    pltpu.sync_copy(dst_hbm.at[w], dst_v)

    plsc.subcore_barrier()

    def _gather(g, slot, sem):
        pltpu.async_copy(x_hbm.at[src_f.at[pl.ds(g * K, K)]],
                         buf.at[slot], sem)

    def _gather_wait(g, slot, sem):
        pltpu.make_async_copy(x_hbm.at[src_f.at[pl.ds(g * K, K)]],
                              buf.at[slot], sem).wait()

    def _scatter(g, slot):
        pltpu.sync_copy(buf.at[slot], agg_sh.at[dst_v.at[g]], add=True)

    _gather(0, 0, sem0)

    def _pair(p, carry):
        e = 2 * p
        _gather(e + 1, 1, sem1)
        _gather_wait(e, 0, sem0)
        _scatter(e, 0)
        _gather(e + 2, 0, sem0)
        _gather_wait(e + 1, 1, sem1)
        _scatter(e + 1, 1)
        return carry
    lax.fori_loop(0, (CH - 1) // 2, _pair, 0)

    _gather_wait(CH - 1, 0, sem0)
    _scatter(CH - 1, 0)

    plsc.subcore_barrier()

    def _copy_out(i, carry):
        pltpu.sync_copy(agg_sh.at[pl.ds(base + i * K, K), :],
                        agg_out.at[c, pl.ds(base + i * K, K), :])
        return carry
    lax.fori_loop(0, ROWS_PER_TILE // K, _copy_out, 0)


_sc_agg = pl.kernel(
    _sc_agg_body,
    out_type=jax.ShapeDtypeStruct((NC, NP, D), jnp.float32),
    mesh=_MESH,
    scratch_types=[
        pltpu.VMEM((EPT,), jnp.int32),
        pltpu.VMEM((CH, K), jnp.int32),
        pltpu.VMEM((2, K, D), jnp.float32),
        pltpu.VMEM_SHARED((NP, D), jnp.float32),
        pltpu.SemaphoreType.DMA,
        pltpu.SemaphoreType.DMA,
    ],
    name="sage_agg",
)


def _sc_deg_body(dst_hbm, deg_out, dst_v, ones_v, deg_sh):
    c = lax.axis_index("c")
    s = lax.axis_index("s")
    w = c * NS + s

    ones16 = jnp.full((16,), 1.0, jnp.float32)
    zeros16 = jnp.zeros((16,), jnp.float32)

    def _zfill(r, carry):
        ones_v[pl.ds(r * 16, 16)] = zeros16
        return carry
    lax.fori_loop(0, ROWS_PER_TILE // 16, _zfill, 0)
    base = s * ROWS_PER_TILE
    pltpu.sync_copy(ones_v.at[pl.ds(0, ROWS_PER_TILE)],
                    deg_sh.at[pl.ds(base, ROWS_PER_TILE)])

    def _ofill(r, carry):
        ones_v[pl.ds(r * 16, 16)] = ones16
        return carry
    lax.fori_loop(0, K // 16, _ofill, 0)

    pltpu.sync_copy(dst_hbm.at[w], dst_v)

    plsc.subcore_barrier()

    def _chunk(g, carry):
        pltpu.sync_copy(ones_v.at[pl.ds(0, K)], deg_sh.at[dst_v.at[g]],
                        add=True)
        return carry
    lax.fori_loop(0, CH, _chunk, 0)

    plsc.subcore_barrier()

    pltpu.sync_copy(deg_sh.at[pl.ds(base, ROWS_PER_TILE)],
                    deg_out.at[c, pl.ds(base, ROWS_PER_TILE)])


_sc_deg = pl.kernel(
    _sc_deg_body,
    out_type=jax.ShapeDtypeStruct((NC, NP), jnp.float32),
    mesh=_MESH,
    scratch_types=[
        pltpu.VMEM((CH, K), jnp.int32),
        pltpu.VMEM((ROWS_PER_TILE,), jnp.float32),
        pltpu.VMEM_SHARED((NP,), jnp.float32),
    ],
    name="sage_deg",
)


BR = 1000


def _dense_body(final, x_ref, p0, p1, dall, ws, wn, b, *rest):
    if final:
        wo, bo, o_ref = rest
    else:
        (o_ref,) = rest
    deg = jnp.maximum(jnp.sum(dall[...], axis=0), 1.0)
    mean = (p0[...] + p1[...]) / deg
    h = jnp.dot(x_ref[...], ws[...], preferred_element_type=jnp.float32)
    h = h + jnp.dot(mean, wn[...], preferred_element_type=jnp.float32)
    h = jnp.maximum(h + b[...], 0.0)
    if final:
        h = jnp.dot(h, wo[...], preferred_element_type=jnp.float32) + bo[...]
        h = jnp.maximum(h, 0.0)
    o_ref[...] = h


def _make_dense(final):
    row_spec = pl.BlockSpec((BR, D), lambda i: (i, 0))
    deg_spec = pl.BlockSpec((NC, BR, 1), lambda i: (0, i, 0))
    w_spec = pl.BlockSpec((D, D), lambda i: (0, 0))
    b_spec = pl.BlockSpec((1, D), lambda i: (0, 0))
    in_specs = [row_spec, row_spec, row_spec, deg_spec,
                w_spec, w_spec, b_spec]
    if final:
        in_specs += [w_spec, b_spec]
    return pl.pallas_call(
        functools.partial(_dense_body, final),
        grid=(N // BR,),
        in_specs=in_specs,
        out_specs=row_spec,
        out_shape=jax.ShapeDtypeStruct((N, D), jnp.float32),
    )


_dense_mid = _make_dense(False)
_dense_final = _make_dense(True)


@jax.jit
def kernel(x, edge_index, W_self1, W_nbr1, b1, W_self2, W_nbr2, b2,
           W_out, b_out):
    src_f = edge_index[0].astype(jnp.int32).reshape(NW, EPT)
    dst_p = edge_index[1].astype(jnp.int32).reshape(NW, CH, K)

    dall = _sc_deg(dst_p).reshape(NC, NP, 1)
    agg1 = _sc_agg(x, src_f, dst_p)

    h1 = _dense_mid(x, agg1[0], agg1[1], dall,
                    W_self1, W_nbr1, b1.reshape(1, D))

    agg2 = _sc_agg(h1, src_f, dst_p)

    out = _dense_final(h1, agg2[0], agg2[1], dall,
                       W_self2, W_nbr2, b2.reshape(1, D),
                       W_out, b_out.reshape(1, D))
    return out

# --- scband reference (transcript-rebuilt; emitter-appended) ---
"""Pipeline reference for scband-hyper-gnn-61100204753259 (READ-ONLY COPY).

The authoritative reference and input builder live on the scoring server;
editing this copy changes nothing except your own understanding.
"""

import jax, jax.numpy as jnp
import numpy as np

N_NODES = 10000
N_EDGES = 320000
D = 128

def setup_inputs(seed: int = 0) -> dict:
    key = jax.random.key(seed)
    ks = jax.random.split(key, 12)
    x = jax.random.normal(ks[0], (N_NODES, D), dtype=jnp.float32)
    edge_index = jax.random.randint(ks[1], (2, N_EDGES), 0, N_NODES, dtype=jnp.int64)
    s = 1.0 / np.sqrt(D)
    W_self1 = jax.random.uniform(ks[2], (D, D), jnp.float32, -s, s)
    W_nbr1 = jax.random.uniform(ks[3], (D, D), jnp.float32, -s, s)
    b1 = jnp.zeros((D,), jnp.float32)
    W_self2 = jax.random.uniform(ks[4], (D, D), jnp.float32, -s, s)
    W_nbr2 = jax.random.uniform(ks[5], (D, D), jnp.float32, -s, s)
    b2 = jnp.zeros((D,), jnp.float32)
    W_out = jax.random.uniform(ks[6], (D, D), jnp.float32, -s, s)
    b_out = jnp.zeros((D,), jnp.float32)
    return {"x": x, "edge_index": edge_index, "W_self1": W_self1, "W_nbr1": W_nbr1, "b1": b1, "W_self2": W_self2, "W_nbr2": W_nbr2, "b2": b2, "W_out": W_out, "b_out": b_out}

def _sage_conv(x, src, dst, W_self, W_nbr, b, n_nodes):
    # message = gather source features along edges (SparseCore gather)
    msg = jnp.take(x, src, axis=0)
    # mean aggregation at destination nodes (SparseCore scatter-add / segment_sum)
    agg = jax.ops.segment_sum(msg, dst, num_segments=n_nodes)
    deg = jax.ops.segment_sum(jnp.ones((src.shape[0],), jnp.float32), dst, num_segments=n_nodes)
    mean_nbr = agg / jnp.maximum(deg, 1.0)[:, None]
    return jax.nn.relu(x @ W_self + mean_nbr @ W_nbr + b)

def reference(x, edge_index, W_self1, W_nbr1, b1, W_self2, W_nbr2, b2, W_out, b_out):
    src = edge_index[0]
    dst = edge_index[1]
    n_nodes = x.shape[0]
    # conv stack (h_dims = [128, 128] -> two message-passing layers)
    h = _sage_conv(x, src, dst, W_self1, W_nbr1, b1, n_nodes)
    h = _sage_conv(h, src, dst, W_self2, W_nbr2, b2, n_nodes)
    # self.out = Linear(h_dims[-1], ...).relu_()
    out = jax.nn.relu(h @ W_out + b_out)
    return out

if __name__ == "__main__":
    import jax
    _d = setup_inputs()
    print(jax.jit(kernel)(*tuple(_d.values())))

</pallas_src>

<mosaic_0001>
#map = affine_map<(d0, d1) -> (0, 0)>
#map1 = affine_map<(d0, d1) -> (0, 0, 0)>
module attributes {stable_mosaic.version = 14 : i64} {
  func.func @sage_agg(%arg0: i32, %arg1: i32, %arg2: memref<10000x128xf32, #tpu.memory_space<hbm>>, %arg3: memref<32x10000xi32, #tpu.memory_space<hbm>>, %arg4: memref<32x125x80xi32, #tpu.memory_space<hbm>>, %arg5: memref<2x10240x128xf32, #tpu.memory_space<hbm>>, %arg6: memref<10000xi32, #tpu.memory_space<vmem>>, %arg7: memref<125x80xi32, #tpu.memory_space<vmem>>, %arg8: memref<2x80x128xf32, #tpu.memory_space<vmem>>, %arg9: memref<10240x128xf32, #tpu.memory_space<vmem_shared>>, %arg10: memref<!tpu.dma_semaphore, #tpu.memory_space<semaphore_mem>>, %arg11: memref<!tpu.dma_semaphore, #tpu.memory_space<semaphore_mem>>) attributes {dimension_semantics = [#tpu.dimension_semantics<core_parallel>, #tpu.dimension_semantics<subcore_parallel>], iteration_bounds = array<i64: 2, 16>, scalar_prefetch = 0 : i64, scratch_operands = 6 : i64, tpu.core_type = #tpu.core_type<sc_vector_subcore>, window_params = [{transform_indices = #map}, {transform_indices = #map}, {transform_indices = #map1}, {transform_indices = #map1}]} {
    %mul3A = arith.constant 16 : i32
    %mul3A_0 = arith.muli %arg0, %mul3A : i32
    %add3A = arith.addi %mul3A_0, %arg1 : i32
    %broadcast_in_dim3A = arith.constant 0.000000e+00 : f32
    %broadcast_in_dim3A_1 = vector.broadcast %broadcast_in_dim3A : f32 to vector<16xf32>
    %scan3A = arith.constant 0 : i32
    %scan3A_2 = arith.constant 0 : i32
    %scan3A_3 = arith.constant 80 : i32
    %scan3A_4 = arith.addi %scan3A_2, %scan3A_3 : i32
    %scan3A_5 = arith.constant 1 : i32
    scf.for %scan3A_47 = %scan3A_2 to %scan3A_4 step %scan3A_5  : i32 {
      %swap3A = arith.constant 0 : i32
      %swap3A_48 = arith.index_cast %swap3A : i32 to index
      %swap3A_49 = arith.index_cast %scan3A_47 : i32 to index
      %swap3A_50 = arith.constant 0 : index
      %swap3A_51 = tpu.vector_load %arg8[%swap3A_48, %swap3A_49, %swap3A_50] {strides = array<i32>} : memref<2x80x128xf32, #tpu.memory_space<vmem>>, vector<1x1x16xf32>,
      %swap3A_52 = vector.shape_cast %swap3A_51 : vector<1x1x16xf32> to vector<16xf32>
      %swap3A_53 = vector.shape_cast %broadcast_in_dim3A_1 : vector<16xf32> to vector<1x1x16xf32>
      tpu.vector_store %arg8[%swap3A_48, %swap3A_49, %swap3A_50], %swap3A_53 {strides = array<i32>} : memref<2x80x128xf32, #tpu.memory_space<vmem>>, vector<1x1x16xf32>,
      %swap3A_54 = arith.constant 0 : i32
      %swap3A_55 = arith.index_cast %swap3A_54 : i32 to index
      %swap3A_56 = arith.index_cast %scan3A_47 : i32 to index
      %swap3A_57 = arith.constant 16 : index
      %swap3A_58 = tpu.vector_load %arg8[%swap3A_55, %swap3A_56, %swap3A_57] {strides = array<i32>} : memref<2x80x128xf32, #tpu.memory_space<vmem>>, vector<1x1x16xf32>,
      %swap3A_59 = vector.shape_cast %swap3A_58 : vector<1x1x16xf32> to vector<16xf32>
      %swap3A_60 = vector.shape_cast %broadcast_in_dim3A_1 : vector<16xf32> to vector<1x1x16xf32>
      tpu.vector_store %arg8[%swap3A_55, %swap3A_56, %swap3A_57], %swap3A_60 {strides = array<i32>} : memref<2x80x128xf32, #tpu.memory_space<vmem>>, vector<1x1x16xf32>,
      %swap3A_61 = arith.constant 0 : i32
      %swap3A_62 = arith.index_cast %swap3A_61 : i32 to index
      %swap3A_63 = arith.index_cast %scan3A_47 : i32 to index
      %swap3A_64 = arith.constant 32 : index
      %swap3A_65 = tpu.vector_load %arg8[%swap3A_62, %swap3A_63, %swap3A_64] {strides = array<i32>} : memref<2x80x128xf32, #tpu.memory_space<vmem>>, vector<1x1x16xf32>,
      %swap3A_66 = vector.shape_cast %swap3A_65 : vector<1x1x16xf32> to vector<16xf32>
      %swap3A_67 = vector.shape_cast %broadcast_in_dim3A_1 : vector<16xf32> to vector<1x1x16xf32>
      tpu.vector_store %arg8[%swap3A_62, %swap3A_63, %swap3A_64], %swap3A_67 {strides = array<i32>} : memref<2x80x128xf32, #tpu.memory_space<vmem>>, vector<1x1x16xf32>,
      %swap3A_68 = arith.constant 0 : i32
      %swap3A_69 = arith.index_cast %swap3A_68 : i32 to index
      %swap3A_70 = arith.index_cast %scan3A_47 : i32 to index
      %swap3A_71 = arith.constant 48 : index
      %swap3A_72 = tpu.vector_load %arg8[%swap3A_69, %swap3A_70, %swap3A_71] {strides = array<i32>} : memref<2x80x128xf32, #tpu.memory_space<vmem>>, vector<1x1x16xf32>,
      %swap3A_73 = vector.shape_cast %swap3A_72 : vector<1x1x16xf32> to vector<16xf32>
      %swap3A_74 = vector.shape_cast %broadcast_in_dim3A_1 : vector<16xf32> to vector<1x1x16xf32>
      tpu.vector_store %arg8[%swap3A_69, %swap3A_70, %swap3A_71], %swap3A_74 {strides = array<i32>} : memref<2x80x128xf32, #tpu.memory_space<vmem>>, vector<1x1x16xf32>,
      %swap3A_75 = arith.constant 0 : i32
      %swap3A_76 = arith.index_cast %swap3A_75 : i32 to index
      %swap3A_77 = arith.index_cast %scan3A_47 : i32 to index
      %swap3A_78 = arith.constant 64 : index
      %swap3A_79 = tpu.vector_load %arg8[%swap3A_76, %swap3A_77, %swap3A_78] {strides = array<i32>} : memref<2x80x128xf32, #tpu.memory_space<vmem>>, vector<1x1x16xf32>,
      %swap3A_80 = vector.shape_cast %swap3A_79 : vector<1x1x16xf32> to vector<16xf32>
      %swap3A_81 = vector.shape_cast %broadcast_in_dim3A_1 : vector<16xf32> to vector<1x1x16xf32>
      tpu.vector_store %arg8[%swap3A_76, %swap3A_77, %swap3A_78], %swap3A_81 {strides = array<i32>} : memref<2x80x128xf32, #tpu.memory_space<vmem>>, vector<1x1x16xf32>,
      %swap3A_82 = arith.constant 0 : i32
      %swap3A_83 = arith.index_cast %swap3A_82 : i32 to index
      %swap3A_84 = arith.index_cast %scan3A_47 : i32 to index
      %swap3A_85 = arith.constant 80 : index
      %swap3A_86 = tpu.vector_load %arg8[%swap3A_83, %swap3A_84, %swap3A_85] {strides = array<i32>} : memref<2x80x128xf32, #tpu.memory_space<vmem>>, vector<1x1x16xf32>,
      %swap3A_87 = vector.shape_cast %swap3A_86 : vector<1x1x16xf32> to vector<16xf32>
      %swap3A_88 = vector.shape_cast %broadcast_in_dim3A_1 : vector<16xf32> to vector<1x1x16xf32>
      tpu.vector_store %arg8[%swap3A_83, %swap3A_84, %swap3A_85], %swap3A_88 {strides = array<i32>} : memref<2x80x128xf32, #tpu.memory_space<vmem>>, vector<1x1x16xf32>,
      %swap3A_89 = arith.constant 0 : i32
      %swap3A_90 = arith.index_cast %swap3A_89 : i32 to index
      %swap3A_91 = arith.index_cast %scan3A_47 : i32 to index
      %swap3A_92 = arith.constant 96 : index
      %swap3A_93 = tpu.vector_load %arg8[%swap3A_90, %swap3A_91, %swap3A_92] {strides = array<i32>} : memref<2x80x128xf32, #tpu.memory_space<vmem>>, vector<1x1x16xf32>,
      %swap3A_94 = vector.shape_cast %swap3A_93 : vector<1x1x16xf32> to vector<16xf32>
      %swap3A_95 = vector.shape_cast %broadcast_in_dim3A_1 : vector<16xf32> to vector<1x1x16xf32>
      tpu.vector_store %arg8[%swap3A_90, %swap3A_91, %swap3A_92], %swap3A_95 {strides = array<i32>} : memref<2x80x128xf32, #tpu.memory_space<vmem>>, vector<1x1x16xf32>,
      %swap3A_96 = arith.constant 0 : i32
      %swap3A_97 = arith.index_cast %swap3A_96 : i32 to index
      %swap3A_98 = arith.index_cast %scan3A_47 : i32 to index
      %swap3A_99 = arith.constant 112 : index
      %swap3A_100 = tpu.vector_load %arg8[%swap3A_97, %swap3A_98, %swap3A_99] {strides = array<i32>} : memref<2x80x128xf32, #tpu.memory_space<vmem>>, vector<1x1x16xf32>,
      %swap3A_101 = vector.shape_cast %swap3A_100 : vector<1x1x16xf32> to vector<16xf32>
      %swap3A_102 = vector.shape_cast %broadcast_in_dim3A_1 : vector<16xf32> to vector<1x1x16xf32>
      tpu.vector_store %arg8[%swap3A_97, %swap3A_98, %swap3A_99], %swap3A_102 {strides = array<i32>} : memref<2x80x128xf32, #tpu.memory_space<vmem>>, vector<1x1x16xf32>,
    }
    %scan3A_6 = arith.constant 80 : i32
    %mul3A_7 = arith.constant 640 : i32
    %mul3A_8 = arith.muli %arg1, %mul3A_7 : i32
    %scan3A_9 = arith.constant 0 : i32
    %scan3A_10 = arith.constant 0 : i32
    %scan3A_11 = arith.constant 8 : i32
    %scan3A_12 = arith.addi %scan3A_10, %scan3A_11 : i32
    %scan3A_13 = arith.constant 1 : i32
    scf.for %scan3A_47 = %scan3A_10 to %scan3A_12 step %scan3A_13  : i32 {
      %mul3A_48 = arith.constant 80 : i32
      %mul3A_49 = arith.muli %scan3A_47, %mul3A_48 : i32
      %add3A_50 = arith.addi %mul3A_8, %mul3A_49 : i32
      %run_scoped3A_51 = arith.constant 0 : i32
      "tpu.region"() ({
        %run_scoped3A_52 = tpu.sem_alloc : memref<!tpu.dma_semaphore, #tpu.memory_space<semaphore_mem>>
        %dma_start3A_53 = arith.constant 0 : i32
        %dma_start3A_54 = arith.constant 0 : i32
        %dma_start3A_55 = tpu.memref_slice %arg8[%run_scoped3A_51, %dma_start3A_53, %dma_start3A_54] : memref<2x80x128xf32, #tpu.memory_space<vmem>> -> memref<1x80x128xf32, #tpu.memory_space<vmem>>
        %dma_start3A_56 = tpu.memref_squeeze %dma_start3A_55 : memref<1x80x128xf32, #tpu.memory_space<vmem>> -> memref<80x128xf32, #tpu.memory_space<vmem>>
        %dma_start3A_57 = arith.constant 0 : i32
        %dma_start3A_58 = tpu.memref_slice %arg9[%add3A_50, %dma_start3A_57] : memref<10240x128xf32, #tpu.memory_space<vmem_shared>> -> memref<80x128xf32, #tpu.memory_space<vmem_shared>>
        %dma_start3A_59 = arith.constant 0 : i32
        %dma_start3A_60 = tpu.memref_slice %arg9[%add3A_50, %dma_start3A_59] : memref<10240x128xf32, #tpu.memory_space<vmem_shared>> -> memref<80x128xf32, #tpu.memory_space<vmem_shared>>
        %dma_start3A_61 = arith.constant 0 : i32
        %dma_start3A_62 = arith.constant 0 : i32
        %dma_start3A_63 = tpu.memref_slice %arg8[%run_scoped3A_51, %dma_start3A_61, %dma_start3A_62] : memref<2x80x128xf32, #tpu.memory_space<vmem>> -> memref<1x80x128xf32, #tpu.memory_space<vmem>>
        %dma_start3A_64 = tpu.memref_squeeze %dma_start3A_63 : memref<1x80x128xf32, #tpu.memory_space<vmem>> -> memref<80x128xf32, #tpu.memory_space<vmem>>
        tpu.enqueue_dma source(%dma_start3A_64 : memref<80x128xf32, #tpu.memory_space<vmem>>) target(%dma_start3A_60 : memref<80x128xf32, #tpu.memory_space<vmem_shared>>) target_semaphore(%run_scoped3A_52 : memref<!tpu.dma_semaphore, #tpu.memory_space<semaphore_mem>>)
        %dma_wait3A_65 = arith.constant 0 : i32
        %dma_wait3A_66 = arith.constant 0 : i32
        %dma_wait3A_67 = tpu.memref_slice %arg8[%run_scoped3A_51, %dma_wait3A_65, %dma_wait3A_66] : memref<2x80x128xf32, #tpu.memory_space<vmem>> -> memref<1x80x128xf32, #tpu.memory_space<vmem>>
        %dma_wait3A_68 = tpu.memref_squeeze %dma_wait3A_67 : memref<1x80x128xf32, #tpu.memory_space<vmem>> -> memref<80x128xf32, #tpu.memory_space<vmem>>
        %dma_wait3A_69 = arith.constant 0 : i32
        %dma_wait3A_70 = tpu.memref_slice %arg9[%add3A_50, %dma_wait3A_69] : memref<10240x128xf32, #tpu.memory_space<vmem_shared>> -> memref<80x128xf32, #tpu.memory_space<vmem_shared>>
        %dma_wait3A_71 = arith.constant 0 : i32
        %dma_wait3A_72 = tpu.memref_slice %arg9[%add3A_50, %dma_wait3A_71] : memref<10240x128xf32, #tpu.memory_space<vmem_shared>> -> memref<80x128xf32, #tpu.memory_space<vmem_shared>>
        %dma_wait3A_73 = arith.constant 0 : i32
        %dma_wait3A_74 = arith.constant 0 : i32
        %dma_wait3A_75 = tpu.memref_slice %arg8[%run_scoped3A_51, %dma_wait3A_73, %dma_wait3A_74] : memref<2x80x128xf32, #tpu.memory_space<vmem>> -> memref<1x80x128xf32, #tpu.memory_space<vmem>>
        %dma_wait3A_76 = tpu.memref_squeeze %dma_wait3A_75 : memref<1x80x128xf32, #tpu.memory_space<vmem>> -> memref<80x128xf32, #tpu.memory_space<vmem>>
        tpu.wait_dma2 semaphore(%run_scoped3A_52 : memref<!tpu.dma_semaphore, #tpu.memory_space<semaphore_mem>>) src(%dma_wait3A_76 : memref<80x128xf32, #tpu.memory_space<vmem>>) dst(%dma_wait3A_72 : memref<80x128xf32, #tpu.memory_space<vmem_shared>>)
        tpu.yield
      }) : () -> ()
    }
    %scan3A_14 = arith.constant 8 : i32
    "tpu.region"() ({
      %run_scoped3A_47 = tpu.sem_alloc : memref<!tpu.dma_semaphore, #tpu.memory_space<semaphore_mem>>
      %dma_start3A_48 = arith.constant 0 : i32
      %dma_start3A_49 = tpu.memref_slice %arg3[%add3A, %dma_start3A_48] : memref<32x10000xi32, #tpu.memory_space<hbm>> -> memref<1x10000xi32, #tpu.memory_space<hbm>>
      %dma_start3A_50 = tpu.memref_squeeze %dma_start3A_49 : memref<1x10000xi32, #tpu.memory_space<hbm>> -> memref<10000xi32, #tpu.memory_space<hbm>>
      %dma_start3A_51 = arith.constant 0 : i32
      %dma_start3A_52 = tpu.memref_slice %arg3[%add3A, %dma_start3A_51] : memref<32x10000xi32, #tpu.memory_space<hbm>> -> memref<1x10000xi32, #tpu.memory_space<hbm>>
      %dma_start3A_53 = tpu.memref_squeeze %dma_start3A_52 : memref<1x10000xi32, #tpu.memory_space<hbm>> -> memref<10000xi32, #tpu.memory_space<hbm>>
      tpu.enqueue_dma source(%dma_start3A_53 : memref<10000xi32, #tpu.memory_space<hbm>>) target(%arg6 : memref<10000xi32, #tpu.memory_space<vmem>>) target_semaphore(%run_scoped3A_47 : memref<!tpu.dma_semaphore, #tpu.memory_space<semaphore_mem>>)
      %dma_wait3A_54 = arith.constant 0 : i32
      %dma_wait3A_55 = tpu.memref_slice %arg3[%add3A, %dma_wait3A_54] : memref<32x10000xi32, #tpu.memory_space<hbm>> -> memref<1x10000xi32, #tpu.memory_space<hbm>>
      %dma_wait3A_56 = tpu.memref_squeeze %dma_wait3A_55 : memref<1x10000xi32, #tpu.memory_space<hbm>> -> memref<10000xi32, #tpu.memory_space<hbm>>
      %dma_wait3A_57 = arith.constant 0 : i32
      %dma_wait3A_58 = tpu.memref_slice %arg3[%add3A, %dma_wait3A_57] : memref<32x10000xi32, #tpu.memory_space<hbm>> -> memref<1x10000xi32, #tpu.memory_space<hbm>>
      %dma_wait3A_59 = tpu.memref_squeeze %dma_wait3A_58 : memref<1x10000xi32, #tpu.memory_space<hbm>> -> memref<10000xi32, #tpu.memory_space<hbm>>
      tpu.wait_dma2 semaphore(%run_scoped3A_47 : memref<!tpu.dma_semaphore, #tpu.memory_space<semaphore_mem>>) src(%dma_wait3A_59 : memref<10000xi32, #tpu.memory_space<hbm>>) dst(%arg6 : memref<10000xi32, #tpu.memory_space<vmem>>)
      tpu.yield
    }) : () -> ()
    "tpu.region"() ({
      %run_scoped3A_47 = tpu.sem_alloc : memref<!tpu.dma_semaphore, #tpu.memory_space<semaphore_mem>>
      %dma_start3A_48 = arith.constant 0 : i32
      %dma_start3A_49 = arith.constant 0 : i32
      %dma_start3A_50 = tpu.memref_slice %arg4[%add3A, %dma_start3A_48, %dma_start3A_49] : memref<32x125x80xi32, #tpu.memory_space<hbm>> -> memref<1x125x80xi32, #tpu.memory_space<hbm>>
      %dma_start3A_51 = tpu.memref_squeeze %dma_start3A_50 : memref<1x125x80xi32, #tpu.memory_space<hbm>> -> memref<125x80xi32, #tpu.memory_space<hbm>>
      %dma_start3A_52 = arith.constant 0 : i32
      %dma_start3A_53 = arith.constant 0 : i32
      %dma_start3A_54 = tpu.memref_slice %arg4[%add3A, %dma_start3A_52, %dma_start3A_53] : memref<32x125x80xi32, #tpu.memory_space<hbm>> -> memref<1x125x80xi32, #tpu.memory_space<hbm>>
      %dma_start3A_55 = tpu.memref_squeeze %dma_start3A_54 : memref<1x125x80xi32, #tpu.memory_space<hbm>> -> memref<125x80xi32, #tpu.memory_space<hbm>>
      tpu.enqueue_dma source(%dma_start3A_55 : memref<125x80xi32, #tpu.memory_space<hbm>>) target(%arg7 : memref<125x80xi32, #tpu.memory_space<vmem>>) target_semaphore(%run_scoped3A_47 : memref<!tpu.dma_semaphore, #tpu.memory_space<semaphore_mem>>)
      %dma_wait3A_56 = arith.constant 0 : i32
      %dma_wait3A_57 = arith.constant 0 : i32
      %dma_wait3A_58 = tpu.memref_slice %arg4[%add3A, %dma_wait3A_56, %dma_wait3A_57] : memref<32x125x80xi32, #tpu.memory_space<hbm>> -> memref<1x125x80xi32, #tpu.memory_space<hbm>>
      %dma_wait3A_59 = tpu.memref_squeeze %dma_wait3A_58 : memref<1x125x80xi32, #tpu.memory_space<hbm>> -> memref<125x80xi32, #tpu.memory_space<hbm>>
      %dma_wait3A_60 = arith.constant 0 : i32
      %dma_wait3A_61 = arith.constant 0 : i32
      %dma_wait3A_62 = tpu.memref_slice %arg4[%add3A, %dma_wait3A_60, %dma_wait3A_61] : memref<32x125x80xi32, #tpu.memory_space<hbm>> -> memref<1x125x80xi32, #tpu.memory_space<hbm>>
      %dma_wait3A_63 = tpu.memref_squeeze %dma_wait3A_62 : memref<1x125x80xi32, #tpu.memory_space<hbm>> -> memref<125x80xi32, #tpu.memory_space<hbm>>
      tpu.wait_dma2 semaphore(%run_scoped3A_47 : memref<!tpu.dma_semaphore, #tpu.memory_space<semaphore_mem>>) src(%dma_wait3A_63 : memref<125x80xi32, #tpu.memory_space<hbm>>) dst(%arg7 : memref<125x80xi32, #tpu.memory_space<vmem>>)
      tpu.yield
    }) : () -> ()
    %barrier3A = arith.constant 0 : index
    tpu.barrier barrier_id(%barrier3A)
    %dma_start3A = arith.constant 0 : i32
    %dma_start3A_15 = arith.constant 0 : i32
    %dma_start3A_16 = arith.constant 0 : i32
    %dma_start3A_17 = tpu.memref_slice %arg8[%dma_start3A, %dma_start3A_15, %dma_start3A_16] : memref<2x80x128xf32, #tpu.memory_space<vmem>> -> memref<1x80x128xf32, #tpu.memory_space<vmem>>
    %dma_start3A_18 = tpu.memref_squeeze %dma_start3A_17 : memref<1x80x128xf32, #tpu.memory_space<vmem>> -> memref<80x128xf32, #tpu.memory_space<vmem>>
    %dma_start3A_19 = arith.constant 0 : i32
    %dma_start3A_20 = tpu.memref_slice %arg6[%dma_start3A_19] : memref<10000xi32, #tpu.memory_space<vmem>> -> memref<80xi32, #tpu.memory_space<vmem>>
    %dma_start3A_21 = arith.constant 0 : i32
    %dma_start3A_22 = arith.constant 0 : i32
    %dma_start3A_23 = tpu.memref_slice %arg2[%dma_start3A_21, %dma_start3A_22] : memref<10000x128xf32, #tpu.memory_space<hbm>> -> memref<10000x128xf32, #tpu.memory_space<hbm>>
    tpu.enqueue_indirect_dma source(%dma_start3A_23 : memref<10000x128xf32, #tpu.memory_space<hbm>>) target(%dma_start3A_18 : memref<80x128xf32, #tpu.memory_space<vmem>>) offsets(%dma_start3A_20 : memref<80xi32, #tpu.memory_space<vmem>>) semaphore(%arg10 : memref<!tpu.dma_semaphore, #tpu.memory_space<semaphore_mem>>)
    %scan3A_24 = arith.constant 0 : i32
    %scan3A_25 = arith.constant 0 : i32
    %scan3A_26 = arith.constant 62 : i32
    %scan3A_27 = arith.addi %scan3A_25, %scan3A_26 : i32
    %scan3A_28 = arith.constant 1 : i32
    scf.for %scan3A_47 = %scan3A_25 to %scan3A_27 step %scan3A_28  : i32 {
      %mul3A_48 = arith.constant 2 : i32
      %mul3A_49 = arith.muli %mul3A_48, %scan3A_47 : i32
      %add3A_50 = arith.constant 1 : i32
      %add3A_51 = arith.addi %mul3A_49, %add3A_50 : i32
      %mul3A_52 = arith.constant 80 : i32
      %mul3A_53 = arith.muli %add3A_51, %mul3A_52 : i32
      %dma_start3A_54 = arith.constant 1 : i32
      %dma_start3A_55 = arith.constant 0 : i32
      %dma_start3A_56 = arith.constant 0 : i32
      %dma_start3A_57 = tpu.memref_slice %arg8[%dma_start3A_54, %dma_start3A_55, %dma_start3A_56] : memref<2x80x128xf32, #tpu.memory_space<vmem>> -> memref<1x80x128xf32, #tpu.memory_space<vmem>>
      %dma_start3A_58 = tpu.memref_squeeze %dma_start3A_57 : memref<1x80x128xf32, #tpu.memory_space<vmem>> -> memref<80x128xf32, #tpu.memory_space<vmem>>
      %dma_start3A_59 = tpu.memref_slice %arg6[%mul3A_53] : memref<10000xi32, #tpu.memory_space<vmem>> -> memref<80xi32, #tpu.memory_space<vmem>>
      %dma_start3A_60 = arith.constant 0 : i32
      %dma_start3A_61 = arith.constant 0 : i32
      %dma_start3A_62 = tpu.memref_slice %arg2[%dma_start3A_60, %dma_start3A_61] : memref<10000x128xf32, #tpu.memory_space<hbm>> -> memref<10000x128xf32, #tpu.memory_space<hbm>>
      tpu.enqueue_indirect_dma source(%dma_start3A_62 : memref<10000x128xf32, #tpu.memory_space<hbm>>) target(%dma_start3A_58 : memref<80x128xf32, #tpu.memory_space<vmem>>) offsets(%dma_start3A_59 : memref<80xi32, #tpu.memory_space<vmem>>) semaphore(%arg11 : memref<!tpu.dma_semaphore, #tpu.memory_space<semaphore_mem>>)
      %mul3A_63 = arith.constant 80 : i32
      %mul3A_64 = arith.muli %mul3A_49, %mul3A_63 : i32
      %dma_wait3A_65 = arith.constant 0 : i32
      %dma_wait3A_66 = arith.constant 0 : i32
      %dma_wait3A_67 = arith.constant 0 : i32
      %dma_wait3A_68 = tpu.memref_slice %arg8[%dma_wait3A_65, %dma_wait3A_66, %dma_wait3A_67] : memref<2x80x128xf32, #tpu.memory_space<vmem>> -> memref<1x80x128xf32, #tpu.memory_space<vmem>>
      %dma_wait3A_69 = tpu.memref_squeeze %dma_wait3A_68 : memref<1x80x128xf32, #tpu.memory_space<vmem>> -> memref<80x128xf32, #tpu.memory_space<vmem>>
      %dma_wait3A_70 = tpu.memref_slice %arg6[%mul3A_64] : memref<10000xi32, #tpu.memory_space<vmem>> -> memref<80xi32, #tpu.memory_space<vmem>>
      %dma_wait3A_71 = arith.constant 0 : i32
      %dma_wait3A_72 = arith.constant 0 : i32
      %dma_wait3A_73 = tpu.memref_slice %arg2[%dma_wait3A_71, %dma_wait3A_72] : memref<10000x128xf32, #tpu.memory_space<hbm>> -> memref<10000x128xf32, #tpu.memory_space<hbm>>
      tpu.wait_indirect_dma semaphore(%arg10 : memref<!tpu.dma_semaphore, #tpu.memory_space<semaphore_mem>>) src(%dma_wait3A_73 : memref<10000x128xf32, #tpu.memory_space<hbm>>) dst(%dma_wait3A_69 : memref<80x128xf32, #tpu.memory_space<vmem>>)
      %run_scoped3A_74 = arith.constant 0 : i32
      "tpu.region"() ({
        %run_scoped3A_104 = tpu.sem_alloc : memref<!tpu.dma_semaphore, #tpu.memory_space<semaphore_mem>>
        %dma_start3A_105 = arith.constant 0 : i32
        %dma_start3A_106 = arith.constant 0 : i32
        %dma_start3A_107 = tpu.memref_slice %arg8[%run_scoped3A_74, %dma_start3A_105, %dma_start3A_106] : memref<2x80x128xf32, #tpu.memory_space<vmem>> -> memref<1x80x128xf32, #tpu.memory_space<vmem>>
        %dma_start3A_108 = tpu.memref_squeeze %dma_start3A_107 : memref<1x80x128xf32, #tpu.memory_space<vmem>> -> memref<80x128xf32, #tpu.memory_space<vmem>>
        %dma_start3A_109 = arith.constant 0 : i32
        %dma_start3A_110 = tpu.memref_slice %arg7[%mul3A_49, %dma_start3A_109] : memref<125x80xi32, #tpu.memory_space<vmem>> -> memref<1x80xi32, #tpu.memory_space<vmem>>
        %dma_start3A_111 = tpu.memref_squeeze %dma_start3A_110 : memref<1x80xi32, #tpu.memory_space<vmem>> -> memref<80xi32, #tpu.memory_space<vmem>>
        %dma_start3A_112 = arith.constant 0 : i32
        %dma_start3A_113 = arith.constant 0 : i32
        %dma_start3A_114 = tpu.memref_slice %arg9[%dma_start3A_112, %dma_start3A_113] : memref<10240x128xf32, #tpu.memory_space<vmem_shared>> -> memref<10240x128xf32, #tpu.memory_space<vmem_shared>>
        tpu.enqueue_indirect_dma source(%dma_start3A_108 : memref<80x128xf32, #tpu.memory_space<vmem>>) target(%dma_start3A_114 : memref<10240x128xf32, #tpu.memory_space<vmem_shared>>) offsets(%dma_start3A_111 : memref<80xi32, #tpu.memory_space<vmem>>) semaphore(%run_scoped3A_104 : memref<!tpu.dma_semaphore, #tpu.memory_space<semaphore_mem>>) {add = true}
        %dma_wait3A_115 = arith.constant 0 : i32
        %dma_wait3A_116 = arith.constant 0 : i32
        %dma_wait3A_117 = tpu.memref_slice %arg8[%run_scoped3A_74, %dma_wait3A_115, %dma_wait3A_116] : memref<2x80x128xf32, #tpu.memory_space<vmem>> -> memref<1x80x128xf32, #tpu.memory_space<vmem>>
        %dma_wait3A_118 = tpu.memref_squeeze %dma_wait3A_117 : memref<1x80x128xf32, #tpu.memory_space<vmem>> -> memref<80x128xf32, #tpu.memory_space<vmem>>
        %dma_wait3A_119 = arith.constant 0 : i32
        %dma_wait3A_120 = tpu.memref_slice %arg7[%mul3A_49, %dma_wait3A_119] : memref<125x80xi32, #tpu.memory_space<vmem>> -> memref<1x80xi32, #tpu.memory_space<vmem>>
        %dma_wait3A_121 = tpu.memref_squeeze %dma_wait3A_120 : memref<1x80xi32, #tpu.memory_space<vmem>> -> memref<80xi32, #tpu.memory_space<vmem>>
        %dma_wait3A_122 = arith.constant 0 : i32
        %dma_wait3A_123 = arith.constant 0 : i32
        %dma_wait3A_124 = tpu.memref_slice %arg9[%dma_wait3A_122, %dma_wait3A_123] : memref<10240x128xf32, #tpu.memory_space<vmem_shared>> -> memref<10240x128xf32, #tpu.memory_space<vmem_shared>>
        tpu.wait_indirect_dma semaphore(%run_scoped3A_104 : memref<!tpu.dma_semaphore, #tpu.memory_space<semaphore_mem>>) src(%dma_wait3A_118 : memref<80x128xf32, #tpu.memory_space<vmem>>) dst(%dma_wait3A_124 : memref<10240x128xf32, #tpu.memory_space<vmem_shared>>)
        tpu.yield
      }) : () -> ()
      %add3A_75 = arith.constant 2 : i32
      %add3A_76 = arith.addi %mul3A_49, %add3A_75 : i32
      %mul3A_77 = arith.constant 80 : i32
      %mul3A_78 = arith.muli %add3A_76, %mul3A_77 : i32
      %dma_start3A_79 = arith.constant 0 : i32
      %dma_start3A_80 = arith.constant 0 : i32
      %dma_start3A_81 = arith.constant 0 : i32
      %dma_start3A_82 = tpu.memref_slice %arg8[%dma_start3A_79, %dma_start3A_80, %dma_start3A_81] : memref<2x80x128xf32, #tpu.memory_space<vmem>> -> memref<1x80x128xf32, #tpu.memory_space<vmem>>
      %dma_start3A_83 = tpu.memref_squeeze %dma_start3A_82 : memref<1x80x128xf32, #tpu.memory_space<vmem>> -> memref<80x128xf32, #tpu.memory_space<vmem>>
      %dma_start3A_84 = tpu.memref_slice %arg6[%mul3A_78] : memref<10000xi32, #tpu.memory_space<vmem>> -> memref<80xi32, #tpu.memory_space<vmem>>
      %dma_start3A_85 = arith.constant 0 : i32
      %dma_start3A_86 = arith.constant 0 : i32
      %dma_start3A_87 = tpu.memref_slice %arg2[%dma_start3A_85, %dma_start3A_86] : memref<10000x128xf32, #tpu.memory_space<hbm>> -> memref<10000x128xf32, #tpu.memory_space<hbm>>
      tpu.enqueue_indirect_dma source(%dma_start3A_87 : memref<10000x128xf32, #tpu.memory_space<hbm>>) target(%dma_start3A_83 : memref<80x128xf32, #tpu.memory_space<vmem>>) offsets(%dma_start3A_84 : memref<80xi32, #tpu.memory_space<vmem>>) semaphore(%arg10 : memref<!tpu.dma_semaphore, #tpu.memory_space<semaphore_mem>>)
      %add3A_88 = arith.constant 1 : i32
      %add3A_89 = arith.addi %mul3A_49, %add3A_88 : i32
      %mul3A_90 = arith.constant 80 : i32
      %mul3A_91 = arith.muli %add3A_89, %mul3A_90 : i32
      %dma_wait3A_92 = arith.constant 1 : i32
      %dma_wait3A_93 = arith.constant 0 : i32
      %dma_wait3A_94 = arith.constant 0 : i32
      %dma_wait3A_95 = tpu.memref_slice %arg8[%dma_wait3A_92, %dma_wait3A_93, %dma_wait3A_94] : memref<2x80x128xf32, #tpu.memory_space<vmem>> -> memref<1x80x128xf32, #tpu.memory_space<vmem>>
      %dma_wait3A_96 = tpu.memref_squeeze %dma_wait3A_95 : memref<1x80x128xf32, #tpu.memory_space<vmem>> -> memref<80x128xf32, #tpu.memory_space<vmem>>
      %dma_wait3A_97 = tpu.memref_slice %arg6[%mul3A_91] : memref<10000xi32, #tpu.memory_space<vmem>> -> memref<80xi32, #tpu.memory_space<vmem>>
      %dma_wait3A_98 = arith.constant 0 : i32
      %dma_wait3A_99 = arith.constant 0 : i32
      %dma_wait3A_100 = tpu.memref_slice %arg2[%dma_wait3A_98, %dma_wait3A_99] : memref<10000x128xf32, #tpu.memory_space<hbm>> -> memref<10000x128xf32, #tpu.memory_space<hbm>>
      tpu.wait_indirect_dma semaphore(%arg11 : memref<!tpu.dma_semaphore, #tpu.memory_space<semaphore_mem>>) src(%dma_wait3A_100 : memref<10000x128xf32, #tpu.memory_space<hbm>>) dst(%dma_wait3A_96 : memref<80x128xf32, #tpu.memory_space<vmem>>)
      %add3A_101 = arith.constant 1 : i32
      %add3A_102 = arith.addi %mul3A_49, %add3A_101 : i32
      %run_scoped3A_103 = arith.constant 1 : i32
      "tpu.region"() ({
        %run_scoped3A_104 = tpu.sem_alloc : memref<!tpu.dma_semaphore, #tpu.memory_space<semaphore_mem>>
        %dma_start3A_105 = arith.constant 0 : i32
        %dma_start3A_106 = arith.constant 0 : i32
        %dma_start3A_107 = tpu.memref_slice %arg8[%run_scoped3A_103, %dma_start3A_105, %dma_start3A_106] : memref<2x80x128xf32, #tpu.memory_space<vmem>> -> memref<1x80x128xf32, #tpu.memory_space<vmem>>
        %dma_start3A_108 = tpu.memref_squeeze %dma_start3A_107 : memref<1x80x128xf32, #tpu.memory_space<vmem>> -> memref<80x128xf32, #tpu.memory_space<vmem>>
        %dma_start3A_109 = arith.constant 0 : i32
        %dma_start3A_110 = tpu.memref_slice %arg7[%add3A_102, %dma_start3A_109] : memref<125x80xi32, #tpu.memory_space<vmem>> -> memref<1x80xi32, #tpu.memory_space<vmem>>
        %dma_start3A_111 = tpu.memref_squeeze %dma_start3A_110 : memref<1x80xi32, #tpu.memory_space<vmem>> -> memref<80xi32, #tpu.memory_space<vmem>>
        %dma_start3A_112 = arith.constant 0 : i32
        %dma_start3A_113 = arith.constant 0 : i32
        %dma_start3A_114 = tpu.memref_slice %arg9[%dma_start3A_112, %dma_start3A_113] : memref<10240x128xf32, #tpu.memory_space<vmem_shared>> -> memref<10240x128xf32, #tpu.memory_space<vmem_shared>>
        tpu.enqueue_indirect_dma source(%dma_start3A_108 : memref<80x128xf32, #tpu.memory_space<vmem>>) target(%dma_start3A_114 : memref<10240x128xf32, #tpu.memory_space<vmem_shared>>) offsets(%dma_start3A_111 : memref<80xi32, #tpu.memory_space<vmem>>) semaphore(%run_scoped3A_104 : memref<!tpu.dma_semaphore, #tpu.memory_space<semaphore_mem>>) {add = true}
        %dma_wait3A_115 = arith.constant 0 : i32
        %dma_wait3A_116 = arith.constant 0 : i32
        %dma_wait3A_117 = tpu.memref_slice %arg8[%run_scoped3A_103, %dma_wait3A_115, %dma_wait3A_116] : memref<2x80x128xf32, #tpu.memory_space<vmem>> -> memref<1x80x128xf32, #tpu.memory_space<vmem>>
        %dma_wait3A_118 = tpu.memref_squeeze %dma_wait3A_117 : memref<1x80x128xf32, #tpu.memory_space<vmem>> -> memref<80x128xf32, #tpu.memory_space<vmem>>
        %dma_wait3A_119 = arith.constant 0 : i32
        %dma_wait3A_120 = tpu.memref_slice %arg7[%add3A_102, %dma_wait3A_119] : memref<125x80xi32, #tpu.memory_space<vmem>> -> memref<1x80xi32, #tpu.memory_space<vmem>>
        %dma_wait3A_121 = tpu.memref_squeeze %dma_wait3A_120 : memref<1x80xi32, #tpu.memory_space<vmem>> -> memref<80xi32, #tpu.memory_space<vmem>>
        %dma_wait3A_122 = arith.constant 0 : i32
        %dma_wait3A_123 = arith.constant 0 : i32
        %dma_wait3A_124 = tpu.memref_slice %arg9[%dma_wait3A_122, %dma_wait3A_123] : memref<10240x128xf32, #tpu.memory_space<vmem_shared>> -> memref<10240x128xf32, #tpu.memory_space<vmem_shared>>
        tpu.wait_indirect_dma semaphore(%run_scoped3A_104 : memref<!tpu.dma_semaphore, #tpu.memory_space<semaphore_mem>>) src(%dma_wait3A_118 : memref<80x128xf32, #tpu.memory_space<vmem>>) dst(%dma_wait3A_124 : memref<10240x128xf32, #tpu.memory_space<vmem_shared>>)
        tpu.yield
      }) : () -> ()
    }
    %scan3A_29 = arith.constant 62 : i32
    %dma_wait3A = arith.constant 0 : i32
    %dma_wait3A_30 = arith.constant 0 : i32
    %dma_wait3A_31 = arith.constant 0 : i32
    %dma_wait3A_32 = tpu.memref_slice %arg8[%dma_wait3A, %dma_wait3A_30, %dma_wait3A_31] : memref<2x80x128xf32, #tpu.memory_space<vmem>> -> memref<1x80x128xf32, #tpu.memory_space<vmem>>
    %dma_wait3A_33 = tpu.memref_squeeze %dma_wait3A_32 : memref<1x80x128xf32, #tpu.memory_space<vmem>> -> memref<80x128xf32, #tpu.memory_space<vmem>>
    %dma_wait3A_34 = arith.constant 9920 : i32
    %dma_wait3A_35 = tpu.memref_slice %arg6[%dma_wait3A_34] : memref<10000xi32, #tpu.memory_space<vmem>> -> memref<80xi32, #tpu.memory_space<vmem>>
    %dma_wait3A_36 = arith.constant 0 : i32
    %dma_wait3A_37 = arith.constant 0 : i32
    %dma_wait3A_38 = tpu.memref_slice %arg2[%dma_wait3A_36, %dma_wait3A_37] : memref<10000x128xf32, #tpu.memory_space<hbm>> -> memref<10000x128xf32, #tpu.memory_space<hbm>>
    tpu.wait_indirect_dma semaphore(%arg10 : memref<!tpu.dma_semaphore, #tpu.memory_space<semaphore_mem>>) src(%dma_wait3A_38 : memref<10000x128xf32, #tpu.memory_space<hbm>>) dst(%dma_wait3A_33 : memref<80x128xf32, #tpu.memory_space<vmem>>)
    %run_scoped3A = arith.constant 0 : i32
    %run_scoped3A_39 = arith.constant 124 : i32
    "tpu.region"() ({
      %run_scoped3A_47 = tpu.sem_alloc : memref<!tpu.dma_semaphore, #tpu.memory_space<semaphore_mem>>
      %dma_start3A_48 = arith.constant 0 : i32
      %dma_start3A_49 = arith.constant 0 : i32
      %dma_start3A_50 = tpu.memref_slice %arg8[%run_scoped3A, %dma_start3A_48, %dma_start3A_49] : memref<2x80x128xf32, #tpu.memory_space<vmem>> -> memref<1x80x128xf32, #tpu.memory_space<vmem>>
      %dma_start3A_51 = tpu.memref_squeeze %dma_start3A_50 : memref<1x80x128xf32, #tpu.memory_space<vmem>> -> memref<80x128xf32, #tpu.memory_space<vmem>>
      %dma_start3A_52 = arith.constant 0 : i32
      %dma_start3A_53 = tpu.memref_slice %arg7[%run_scoped3A_39, %dma_start3A_52] : memref<125x80xi32, #tpu.memory_space<vmem>> -> memref<1x80xi32, #tpu.memory_space<vmem>>
      %dma_start3A_54 = tpu.memref_squeeze %dma_start3A_53 : memref<1x80xi32, #tpu.memory_space<vmem>> -> memref<80xi32, #tpu.memory_space<vmem>>
      %dma_start3A_55 = arith.constant 0 : i32
      %dma_start3A_56 = arith.constant 0 : i32
      %dma_start3A_57 = tpu.memref_slice %arg9[%dma_start3A_55, %dma_start3A_56] : memref<10240x128xf32, #tpu.memory_space<vmem_shared>> -> memref<10240x128xf32, #tpu.memory_space<vmem_shared>>
      tpu.enqueue_indirect_dma source(%dma_start3A_51 : memref<80x128xf32, #tpu.memory_space<vmem>>) target(%dma_start3A_57 : memref<10240x128xf32, #tpu.memory_space<vmem_shared>>) offsets(%dma_start3A_54 : memref<80xi32, #tpu.memory_space<vmem>>) semaphore(%run_scoped3A_47 : memref<!tpu.dma_semaphore, #tpu.memory_space<semaphore_mem>>) {add = true}
      %dma_wait3A_58 = arith.constant 0 : i32
      %dma_wait3A_59 = arith.constant 0 : i32
      %dma_wait3A_60 = tpu.memref_slice %arg8[%run_scoped3A, %dma_wait3A_58, %dma_wait3A_59] : memref<2x80x128xf32, #tpu.memory_space<vmem>> -> memref<1x80x128xf32, #tpu.memory_space<vmem>>
      %dma_wait3A_61 = tpu.memref_squeeze %dma_wait3A_60 : memref<1x80x128xf32, #tpu.memory_space<vmem>> -> memref<80x128xf32, #tpu.memory_space<vmem>>
      %dma_wait3A_62 = arith.constant 0 : i32
      %dma_wait3A_63 = tpu.memref_slice %arg7[%run_scoped3A_39, %dma_wait3A_62] : memref<125x80xi32, #tpu.memory_space<vmem>> -> memref<1x80xi32, #tpu.memory_space<vmem>>
      %dma_wait3A_64 = tpu.memref_squeeze %dma_wait3A_63 : memref<1x80xi32, #tpu.memory_space<vmem>> -> memref<80xi32, #tpu.memory_space<vmem>>
      %dma_wait3A_65 = arith.constant 0 : i32
      %dma_wait3A_66 = arith.constant 0 : i32
      %dma_wait3A_67 = tpu.memref_slice %arg9[%dma_wait3A_65, %dma_wait3A_66] : memref<10240x128xf32, #tpu.memory_space<vmem_shared>> -> memref<10240x128xf32, #tpu.memory_space<vmem_shared>>
      tpu.wait_indirect_dma semaphore(%run_scoped3A_47 : memref<!tpu.dma_semaphore, #tpu.memory_space<semaphore_mem>>) src(%dma_wait3A_61 : memref<80x128xf32, #tpu.memory_space<vmem>>) dst(%dma_wait3A_67 : memref<10240x128xf32, #tpu.memory_space<vmem_shared>>)
      tpu.yield
    }) : () -> ()
    %barrier3A_40 = arith.constant 0 : index
    tpu.barrier barrier_id(%barrier3A_40)
    %scan3A_41 = arith.constant 0 : i32
    %scan3A_42 = arith.constant 0 : i32
    %scan3A_43 = arith.constant 8 : i32
    %scan3A_44 = arith.addi %scan3A_42, %scan3A_43 : i32
    %scan3A_45 = arith.constant 1 : i32
    scf.for %scan3A_47 = %scan3A_42 to %scan3A_44 step %scan3A_45  : i32 {
      %mul3A_48 = arith.constant 80 : i32
      %mul3A_49 = arith.muli %scan3A_47, %mul3A_48 : i32
      %add3A_50 = arith.addi %mul3A_8, %mul3A_49 : i32
      %mul3A_51 = arith.constant 80 : i32
      %mul3A_52 = arith.muli %scan3A_47, %mul3A_51 : i32
      %add3A_53 = arith.addi %mul3A_8, %mul3A_52 : i32
      "tpu.region"() ({
        %run_scoped3A_54 = tpu.sem_alloc : memref<!tpu.dma_semaphore, #tpu.memory_space<semaphore_mem>>
        %dma_start3A_55 = arith.constant 0 : i32
        %dma_start3A_56 = tpu.memref_slice %arg5[%arg0, %add3A_53, %dma_start3A_55] : memref<2x10240x128xf32, #tpu.memory_space<hbm>> -> memref<1x80x128xf32, #tpu.memory_space<hbm>>
        %dma_start3A_57 = tpu.memref_squeeze %dma_start3A_56 : memref<1x80x128xf32, #tpu.memory_space<hbm>> -> memref<80x128xf32, #tpu.memory_space<hbm>>
        %dma_start3A_58 = arith.constant 0 : i32
        %dma_start3A_59 = tpu.memref_slice %arg9[%add3A_50, %dma_start3A_58] : memref<10240x128xf32, #tpu.memory_space<vmem_shared>> -> memref<80x128xf32, #tpu.memory_space<vmem_shared>>
        tpu.enqueue_dma source(%dma_start3A_59 : memref<80x128xf32, #tpu.memory_space<vmem_shared>>) target(%dma_start3A_57 : memref<80x128xf32, #tpu.memory_space<hbm>>) target_semaphore(%run_scoped3A_54 : memref<!tpu.dma_semaphore, #tpu.memory_space<semaphore_mem>>)
        %dma_wait3A_60 = arith.constant 0 : i32
        %dma_wait3A_61 = tpu.memref_slice %arg5[%arg0, %add3A_53, %dma_wait3A_60] : memref<2x10240x128xf32, #tpu.memory_space<hbm>> -> memref<1x80x128xf32, #tpu.memory_space<hbm>>
        %dma_wait3A_62 = tpu.memref_squeeze %dma_wait3A_61 : memref<1x80x128xf32, #tpu.memory_space<hbm>> -> memref<80x128xf32, #tpu.memory_space<hbm>>
        %dma_wait3A_63 = arith.constant 0 : i32
        %dma_wait3A_64 = tpu.memref_slice %arg9[%add3A_50, %dma_wait3A_63] : memref<10240x128xf32, #tpu.memory_space<vmem_shared>> -> memref<80x128xf32, #tpu.memory_space<vmem_shared>>
        tpu.wait_dma2 semaphore(%run_scoped3A_54 : memref<!tpu.dma_semaphore, #tpu.memory_space<semaphore_mem>>) src(%dma_wait3A_64 : memref<80x128xf32, #tpu.memory_space<vmem_shared>>) dst(%dma_wait3A_62 : memref<80x128xf32, #tpu.memory_space<hbm>>)
        tpu.yield
      }) : () -> ()
    }
    %scan3A_46 = arith.constant 8 : i32
    return
  }
}

#map = affine_map<(d0, d1) -> (0, 0, 0)>
#map1 = affine_map<(d0, d1) -> (0, 0)>
module attributes {stable_mosaic.version = 14 : i64} {
  func.func @sage_deg(%arg0: i32, %arg1: i32, %arg2: memref<32x125x80xi32, #tpu.memory_space<hbm>>, %arg3: memref<2x10240xf32, #tpu.memory_space<hbm>>, %arg4: memref<125x80xi32, #tpu.memory_space<vmem>>, %arg5: memref<640xf32, #tpu.memory_space<vmem>>, %arg6: memref<10240xf32, #tpu.memory_space<vmem_shared>>) attributes {dimension_semantics = [#tpu.dimension_semantics<core_parallel>, #tpu.dimension_semantics<subcore_parallel>], iteration_bounds = array<i64: 2, 16>, scalar_prefetch = 0 : i64, scratch_operands = 3 : i64, tpu.core_type = #tpu.core_type<sc_vector_subcore>, window_params = [{transform_indices = #map}, {transform_indices = #map1}]} {
    %mul3A = arith.constant 16 : i32
    %mul3A_0 = arith.muli %arg0, %mul3A : i32
    %add3A = arith.addi %mul3A_0, %arg1 : i32
    %broadcast_in_dim3A = arith.constant 1.000000e+00 : f32
    %broadcast_in_dim3A_1 = vector.broadcast %broadcast_in_dim3A : f32 to vector<16xf32>
    %broadcast_in_dim3A_2 = arith.constant 0.000000e+00 : f32
    %broadcast_in_dim3A_3 = vector.broadcast %broadcast_in_dim3A_2 : f32 to vector<16xf32>
    %scan3A = arith.constant 0 : i32
    %scan3A_4 = arith.constant 0 : i32
    %scan3A_5 = arith.constant 40 : i32
    %scan3A_6 = arith.addi %scan3A_4, %scan3A_5 : i32
    %scan3A_7 = arith.constant 1 : i32
    scf.for %scan3A_24 = %scan3A_4 to %scan3A_6 step %scan3A_7  : i32 {
      %mul3A_25 = arith.constant 16 : i32
      %mul3A_26 = arith.muli %scan3A_24, %mul3A_25 : i32
      %swap3A = arith.index_cast %mul3A_26 : i32 to index
      %swap3A_27 = tpu.vector_load %arg5[%swap3A] {strides = array<i32>} : memref<640xf32, #tpu.memory_space<vmem>>, vector<16xf32>,
      %swap3A_28 = vector.shape_cast %swap3A_27 : vector<16xf32> to vector<16xf32>
      %swap3A_29 = vector.shape_cast %broadcast_in_dim3A_3 : vector<16xf32> to vector<16xf32>
      tpu.vector_store %arg5[%swap3A], %swap3A_29 {strides = array<i32>} : memref<640xf32, #tpu.memory_space<vmem>>, vector<16xf32>,
    }
    %scan3A_8 = arith.constant 40 : i32
    %mul3A_9 = arith.constant 640 : i32
    %mul3A_10 = arith.muli %arg1, %mul3A_9 : i32
    "tpu.region"() ({
      %run_scoped3A = tpu.sem_alloc : memref<!tpu.dma_semaphore, #tpu.memory_space<semaphore_mem>>
      %dma_start3A = arith.constant 0 : i32
      %dma_start3A_24 = tpu.memref_slice %arg5[%dma_start3A] : memref<640xf32, #tpu.memory_space<vmem>> -> memref<640xf32, #tpu.memory_space<vmem>>
      %dma_start3A_25 = tpu.memref_slice %arg6[%mul3A_10] : memref<10240xf32, #tpu.memory_space<vmem_shared>> -> memref<640xf32, #tpu.memory_space<vmem_shared>>
      %dma_start3A_26 = tpu.memref_slice %arg6[%mul3A_10] : memref<10240xf32, #tpu.memory_space<vmem_shared>> -> memref<640xf32, #tpu.memory_space<vmem_shared>>
      %dma_start3A_27 = arith.constant 0 : i32
      %dma_start3A_28 = tpu.memref_slice %arg5[%dma_start3A_27] : memref<640xf32, #tpu.memory_space<vmem>> -> memref<640xf32, #tpu.memory_space<vmem>>
      tpu.enqueue_dma source(%dma_start3A_28 : memref<640xf32, #tpu.memory_space<vmem>>) target(%dma_start3A_26 : memref<640xf32, #tpu.memory_space<vmem_shared>>) target_semaphore(%run_scoped3A : memref<!tpu.dma_semaphore, #tpu.memory_space<semaphore_mem>>)
      %dma_wait3A = arith.constant 0 : i32
      %dma_wait3A_29 = tpu.memref_slice %arg5[%dma_wait3A] : memref<640xf32, #tpu.memory_space<vmem>> -> memref<640xf32, #tpu.memory_space<vmem>>
      %dma_wait3A_30 = tpu.memref_slice %arg6[%mul3A_10] : memref<10240xf32, #tpu.memory_space<vmem_shared>> -> memref<640xf32, #tpu.memory_space<vmem_shared>>
      %dma_wait3A_31 = tpu.memref_slice %arg6[%mul3A_10] : memref<10240xf32, #tpu.memory_space<vmem_shared>> -> memref<640xf32, #tpu.memory_space<vmem_shared>>
      %dma_wait3A_32 = arith.constant 0 : i32
      %dma_wait3A_33 = tpu.memref_slice %arg5[%dma_wait3A_32] : memref<640xf32, #tpu.memory_space<vmem>> -> memref<640xf32, #tpu.memory_space<vmem>>
      tpu.wait_dma2 semaphore(%run_scoped3A : memref<!tpu.dma_semaphore, #tpu.memory_space<semaphore_mem>>) src(%dma_wait3A_33 : memref<640xf32, #tpu.memory_space<vmem>>) dst(%dma_wait3A_31 : memref<640xf32, #tpu.memory_space<vmem_shared>>)
      tpu.yield
    }) : () -> ()
    %scan3A_11 = arith.constant 0 : i32
    %scan3A_12 = arith.constant 0 : i32
    %scan3A_13 = arith.constant 5 : i32
    %scan3A_14 = arith.addi %scan3A_12, %scan3A_13 : i32
    %scan3A_15 = arith.constant 1 : i32
    scf.for %scan3A_24 = %scan3A_12 to %scan3A_14 step %scan3A_15  : i32 {
      %mul3A_25 = arith.constant 16 : i32
      %mul3A_26 = arith.muli %scan3A_24, %mul3A_25 : i32
      %swap3A = arith.index_cast %mul3A_26 : i32 to index
      %swap3A_27 = tpu.vector_load %arg5[%swap3A] {strides = array<i32>} : memref<640xf32, #tpu.memory_space<vmem>>, vector<16xf32>,
      %swap3A_28 = vector.shape_cast %swap3A_27 : vector<16xf32> to vector<16xf32>
      %swap3A_29 = vector.shape_cast %broadcast_in_dim3A_1 : vector<16xf32> to vector<16xf32>
      tpu.vector_store %arg5[%swap3A], %swap3A_29 {strides = array<i32>} : memref<640xf32, #tpu.memory_space<vmem>>, vector<16xf32>,
    }
    %scan3A_16 = arith.constant 5 : i32
    "tpu.region"() ({
      %run_scoped3A = tpu.sem_alloc : memref<!tpu.dma_semaphore, #tpu.memory_space<semaphore_mem>>
      %dma_start3A = arith.constant 0 : i32
      %dma_start3A_24 = arith.constant 0 : i32
      %dma_start3A_25 = tpu.memref_slice %arg2[%add3A, %dma_start3A, %dma_start3A_24] : memref<32x125x80xi32, #tpu.memory_space<hbm>> -> memref<1x125x80xi32, #tpu.memory_space<hbm>>
      %dma_start3A_26 = tpu.memref_squeeze %dma_start3A_25 : memref<1x125x80xi32, #tpu.memory_space<hbm>> -> memref<125x80xi32, #tpu.memory_space<hbm>>
      %dma_start3A_27 = arith.constant 0 : i32
      %dma_start3A_28 = arith.constant 0 : i32
      %dma_start3A_29 = tpu.memref_slice %arg2[%add3A, %dma_start3A_27, %dma_start3A_28] : memref<32x125x80xi32, #tpu.memory_space<hbm>> -> memref<1x125x80xi32, #tpu.memory_space<hbm>>
      %dma_start3A_30 = tpu.memref_squeeze %dma_start3A_29 : memref<1x125x80xi32, #tpu.memory_space<hbm>> -> memref<125x80xi32, #tpu.memory_space<hbm>>
      tpu.enqueue_dma source(%dma_start3A_30 : memref<125x80xi32, #tpu.memory_space<hbm>>) target(%arg4 : memref<125x80xi32, #tpu.memory_space<vmem>>) target_semaphore(%run_scoped3A : memref<!tpu.dma_semaphore, #tpu.memory_space<semaphore_mem>>)
      %dma_wait3A = arith.constant 0 : i32
      %dma_wait3A_31 = arith.constant 0 : i32
      %dma_wait3A_32 = tpu.memref_slice %arg2[%add3A, %dma_wait3A, %dma_wait3A_31] : memref<32x125x80xi32, #tpu.memory_space<hbm>> -> memref<1x125x80xi32, #tpu.memory_space<hbm>>
      %dma_wait3A_33 = tpu.memref_squeeze %dma_wait3A_32 : memref<1x125x80xi32, #tpu.memory_space<hbm>> -> memref<125x80xi32, #tpu.memory_space<hbm>>
      %dma_wait3A_34 = arith.constant 0 : i32
      %dma_wait3A_35 = arith.constant 0 : i32
      %dma_wait3A_36 = tpu.memref_slice %arg2[%add3A, %dma_wait3A_34, %dma_wait3A_35] : memref<32x125x80xi32, #tpu.memory_space<hbm>> -> memref<1x125x80xi32, #tpu.memory_space<hbm>>
      %dma_wait3A_37 = tpu.memref_squeeze %dma_wait3A_36 : memref<1x125x80xi32, #tpu.memory_space<hbm>> -> memref<125x80xi32, #tpu.memory_space<hbm>>
      tpu.wait_dma2 semaphore(%run_scoped3A : memref<!tpu.dma_semaphore, #tpu.memory_space<semaphore_mem>>) src(%dma_wait3A_37 : memref<125x80xi32, #tpu.memory_space<hbm>>) dst(%arg4 : memref<125x80xi32, #tpu.memory_space<vmem>>)
      tpu.yield
    }) : () -> ()
    %barrier3A = arith.constant 0 : index
    tpu.barrier barrier_id(%barrier3A)
    %scan3A_17 = arith.constant 0 : i32
    %scan3A_18 = arith.constant 0 : i32
    %scan3A_19 = arith.constant 125 : i32
    %scan3A_20 = arith.addi %scan3A_18, %scan3A_19 : i32
    %scan3A_21 = arith.constant 1 : i32
    scf.for %scan3A_24 = %scan3A_18 to %scan3A_20 step %scan3A_21  : i32 {
      "tpu.region"() ({
        %run_scoped3A = tpu.sem_alloc : memref<!tpu.dma_semaphore, #tpu.memory_space<semaphore_mem>>
        %dma_start3A = arith.constant 0 : i32
        %dma_start3A_25 = tpu.memref_slice %arg5[%dma_start3A] : memref<640xf32, #tpu.memory_space<vmem>> -> memref<80xf32, #tpu.memory_space<vmem>>
        %dma_start3A_26 = arith.constant 0 : i32
        %dma_start3A_27 = tpu.memref_slice %arg4[%scan3A_24, %dma_start3A_26] : memref<125x80xi32, #tpu.memory_space<vmem>> -> memref<1x80xi32, #tpu.memory_space<vmem>>
        %dma_start3A_28 = tpu.memref_squeeze %dma_start3A_27 : memref<1x80xi32, #tpu.memory_space<vmem>> -> memref<80xi32, #tpu.memory_space<vmem>>
        %dma_start3A_29 = arith.constant 0 : i32
        %dma_start3A_30 = tpu.memref_slice %arg6[%dma_start3A_29] : memref<10240xf32, #tpu.memory_space<vmem_shared>> -> memref<10240xf32, #tpu.memory_space<vmem_shared>>
        tpu.enqueue_indirect_dma source(%dma_start3A_25 : memref<80xf32, #tpu.memory_space<vmem>>) target(%dma_start3A_30 : memref<10240xf32, #tpu.memory_space<vmem_shared>>) offsets(%dma_start3A_28 : memref<80xi32, #tpu.memory_space<vmem>>) semaphore(%run_scoped3A : memref<!tpu.dma_semaphore, #tpu.memory_space<semaphore_mem>>) {add = true}
        %dma_wait3A = arith.constant 0 : i32
        %dma_wait3A_31 = tpu.memref_slice %arg5[%dma_wait3A] : memref<640xf32, #tpu.memory_space<vmem>> -> memref<80xf32, #tpu.memory_space<vmem>>
        %dma_wait3A_32 = arith.constant 0 : i32
        %dma_wait3A_33 = tpu.memref_slice %arg4[%scan3A_24, %dma_wait3A_32] : memref<125x80xi32, #tpu.memory_space<vmem>> -> memref<1x80xi32, #tpu.memory_space<vmem>>
        %dma_wait3A_34 = tpu.memref_squeeze %dma_wait3A_33 : memref<1x80xi32, #tpu.memory_space<vmem>> -> memref<80xi32, #tpu.memory_space<vmem>>
        %dma_wait3A_35 = arith.constant 0 : i32
        %dma_wait3A_36 = tpu.memref_slice %arg6[%dma_wait3A_35] : memref<10240xf32, #tpu.memory_space<vmem_shared>> -> memref<10240xf32, #tpu.memory_space<vmem_shared>>
        tpu.wait_indirect_dma semaphore(%run_scoped3A : memref<!tpu.dma_semaphore, #tpu.memory_space<semaphore_mem>>) src(%dma_wait3A_31 : memref<80xf32, #tpu.memory_space<vmem>>) dst(%dma_wait3A_36 : memref<10240xf32, #tpu.memory_space<vmem_shared>>)
        tpu.yield
      }) : () -> ()
    }
    %scan3A_22 = arith.constant 125 : i32
    %barrier3A_23 = arith.constant 0 : index
    tpu.barrier barrier_id(%barrier3A_23)
    "tpu.region"() ({
      %run_scoped3A = tpu.sem_alloc : memref<!tpu.dma_semaphore, #tpu.memory_space<semaphore_mem>>
      %dma_start3A = tpu.memref_slice %arg3[%arg0, %mul3A_10] : memref<2x10240xf32, #tpu.memory_space<hbm>> -> memref<1x640xf32, #tpu.memory_space<hbm>>
      %dma_start3A_24 = tpu.memref_squeeze %dma_start3A : memref<1x640xf32, #tpu.memory_space<hbm>> -> memref<640xf32, #tpu.memory_space<hbm>>
      %dma_start3A_25 = tpu.memref_slice %arg6[%mul3A_10] : memref<10240xf32, #tpu.memory_space<vmem_shared>> -> memref<640xf32, #tpu.memory_space<vmem_shared>>
      tpu.enqueue_dma source(%dma_start3A_25 : memref<640xf32, #tpu.memory_space<vmem_shared>>) target(%dma_start3A_24 : memref<640xf32, #tpu.memory_space<hbm>>) target_semaphore(%run_scoped3A : memref<!tpu.dma_semaphore, #tpu.memory_space<semaphore_mem>>)
      %dma_wait3A = tpu.memref_slice %arg3[%arg0, %mul3A_10] : memref<2x10240xf32, #tpu.memory_space<hbm>> -> memref<1x640xf32, #tpu.memory_space<hbm>>
      %dma_wait3A_26 = tpu.memref_squeeze %dma_wait3A : memref<1x640xf32, #tpu.memory_space<hbm>> -> memref<640xf32, #tpu.memory_space<hbm>>
      %dma_wait3A_27 = tpu.memref_slice %arg6[%mul3A_10] : memref<10240xf32, #tpu.memory_space<vmem_shared>> -> memref<640xf32, #tpu.memory_space<vmem_shared>>
      tpu.wait_dma2 semaphore(%run_scoped3A : memref<!tpu.dma_semaphore, #tpu.memory_space<semaphore_mem>>) src(%dma_wait3A_27 : memref<640xf32, #tpu.memory_space<vmem_shared>>) dst(%dma_wait3A_26 : memref<640xf32, #tpu.memory_space<hbm>>)
      tpu.yield
    }) : () -> ()
    return
  }
}

#map = affine_map<(d0, d1) -> (0, 0)>
#map1 = affine_map<(d0, d1) -> (0, 0, 0)>
module attributes {stable_mosaic.version = 14 : i64} {
  func.func @sage_agg(%arg0: i32, %arg1: i32, %arg2: memref<10000x128xf32, #tpu.memory_space<hbm>>, %arg3: memref<32x10000xi32, #tpu.memory_space<hbm>>, %arg4: memref<32x125x80xi32, #tpu.memory_space<hbm>>, %arg5: memref<2x10240x128xf32, #tpu.memory_space<hbm>>, %arg6: memref<10000xi32, #tpu.memory_space<vmem>>, %arg7: memref<125x80xi32, #tpu.memory_space<vmem>>, %arg8: memref<2x80x128xf32, #tpu.memory_space<vmem>>, %arg9: memref<10240x128xf32, #tpu.memory_space<vmem_shared>>, %arg10: memref<!tpu.dma_semaphore, #tpu.memory_space<semaphore_mem>>, %arg11: memref<!tpu.dma_semaphore, #tpu.memory_space<semaphore_mem>>) attributes {dimension_semantics = [#tpu.dimension_semantics<core_parallel>, #tpu.dimension_semantics<subcore_parallel>], iteration_bounds = array<i64: 2, 16>, scalar_prefetch = 0 : i64, scratch_operands = 6 : i64, tpu.core_type = #tpu.core_type<sc_vector_subcore>, window_params = [{transform_indices = #map}, {transform_indices = #map}, {transform_indices = #map1}, {transform_indices = #map1}]} {
    %mul3A = arith.constant 16 : i32
    %mul3A_0 = arith.muli %arg0, %mul3A : i32
    %add3A = arith.addi %mul3A_0, %arg1 : i32
    %broadcast_in_dim3A = arith.constant 0.000000e+00 : f32
    %broadcast_in_dim3A_1 = vector.broadcast %broadcast_in_dim3A : f32 to vector<16xf32>
    %scan3A = arith.constant 0 : i32
    %scan3A_2 = arith.constant 0 : i32
    %scan3A_3 = arith.constant 80 : i32
    %scan3A_4 = arith.addi %scan3A_2, %scan3A_3 : i32
    %scan3A_5 = arith.constant 1 : i32
    scf.for %scan3A_47 = %scan3A_2 to %scan3A_4 step %scan3A_5  : i32 {
      %swap3A = arith.constant 0 : i32
      %swap3A_48 = arith.index_cast %swap3A : i32 to index
      %swap3A_49 = arith.index_cast %scan3A_47 : i32 to index
      %swap3A_50 = arith.constant 0 : index
      %swap3A_51 = tpu.vector_load %arg8[%swap3A_48, %swap3A_49, %swap3A_50] {strides = array<i32>} : memref<2x80x128xf32, #tpu.memory_space<vmem>>, vector<1x1x16xf32>,
      %swap3A_52 = vector.shape_cast %swap3A_51 : vector<1x1x16xf32> to vector<16xf32>
      %swap3A_53 = vector.shape_cast %broadcast_in_dim3A_1 : vector<16xf32> to vector<1x1x16xf32>
      tpu.vector_store %arg8[%swap3A_48, %swap3A_49, %swap3A_50], %swap3A_53 {strides = array<i32>} : memref<2x80x128xf32, #tpu.memory_space<vmem>>, vector<1x1x16xf32>,
      %swap3A_54 = arith.constant 0 : i32
      %swap3A_55 = arith.index_cast %swap3A_54 : i32 to index
      %swap3A_56 = arith.index_cast %scan3A_47 : i32 to index
      %swap3A_57 = arith.constant 16 : index
      %swap3A_58 = tpu.vector_load %arg8[%swap3A_55, %swap3A_56, %swap3A_57] {strides = array<i32>} : memref<2x80x128xf32, #tpu.memory_space<vmem>>, vector<1x1x16xf32>,
      %swap3A_59 = vector.shape_cast %swap3A_58 : vector<1x1x16xf32> to vector<16xf32>
      %swap3A_60 = vector.shape_cast %broadcast_in_dim3A_1 : vector<16xf32> to vector<1x1x16xf32>
      tpu.vector_store %arg8[%swap3A_55, %swap3A_56, %swap3A_57], %swap3A_60 {strides = array<i32>} : memref<2x80x128xf32, #tpu.memory_space<vmem>>, vector<1x1x16xf32>,
      %swap3A_61 = arith.constant 0 : i32
      %swap3A_62 = arith.index_cast %swap3A_61 : i32 to index
      %swap3A_63 = arith.index_cast %scan3A_47 : i32 to index
      %swap3A_64 = arith.constant 32 : index
      %swap3A_65 = tpu.vector_load %arg8[%swap3A_62, %swap3A_63, %swap3A_64] {strides = array<i32>} : memref<2x80x128xf32, #tpu.memory_space<vmem>>, vector<1x1x16xf32>,
      %swap3A_66 = vector.shape_cast %swap3A_65 : vector<1x1x16xf32> to vector<16xf32>
      %swap3A_67 = vector.shape_cast %broadcast_in_dim3A_1 : vector<16xf32> to vector<1x1x16xf32>
      tpu.vector_store %arg8[%swap3A_62, %swap3A_63, %swap3A_64], %swap3A_67 {strides = array<i32>} : memref<2x80x128xf32, #tpu.memory_space<vmem>>, vector<1x1x16xf32>,
      %swap3A_68 = arith.constant 0 : i32
      %swap3A_69 = arith.index_cast %swap3A_68 : i32 to index
      %swap3A_70 = arith.index_cast %scan3A_47 : i32 to index
      %swap3A_71 = arith.constant 48 : index
      %swap3A_72 = tpu.vector_load %arg8[%swap3A_69, %swap3A_70, %swap3A_71] {strides = array<i32>} : memref<2x80x128xf32, #tpu.memory_space<vmem>>, vector<1x1x16xf32>,
      %swap3A_73 = vector.shape_cast %swap3A_72 : vector<1x1x16xf32> to vector<16xf32>
      %swap3A_74 = vector.shape_cast %broadcast_in_dim3A_1 : vector<16xf32> to vector<1x1x16xf32>
      tpu.vector_store %arg8[%swap3A_69, %swap3A_70, %swap3A_71], %swap3A_74 {strides = array<i32>} : memref<2x80x128xf32, #tpu.memory_space<vmem>>, vector<1x1x16xf32>,
      %swap3A_75 = arith.constant 0 : i32
      %swap3A_76 = arith.index_cast %swap3A_75 : i32 to index
      %swap3A_77 = arith.index_cast %scan3A_47 : i32 to index
      %swap3A_78 = arith.constant 64 : index
      %swap3A_79 = tpu.vector_load %arg8[%swap3A_76, %swap3A_77, %swap3A_78] {strides = array<i32>} : memref<2x80x128xf32, #tpu.memory_space<vmem>>, vector<1x1x16xf32>,
      %swap3A_80 = vector.shape_cast %swap3A_79 : vector<1x1x16xf32> to vector<16xf32>
      %swap3A_81 = vector.shape_cast %broadcast_in_dim3A_1 : vector<16xf32> to vector<1x1x16xf32>
      tpu.vector_store %arg8[%swap3A_76, %swap3A_77, %swap3A_78], %swap3A_81 {strides = array<i32>} : memref<2x80x128xf32, #tpu.memory_space<vmem>>, vector<1x1x16xf32>,
      %swap3A_82 = arith.constant 0 : i32
      %swap3A_83 = arith.index_cast %swap3A_82 : i32 to index
      %swap3A_84 = arith.index_cast %scan3A_47 : i32 to index
      %swap3A_85 = arith.constant 80 : index
      %swap3A_86 = tpu.vector_load %arg8[%swap3A_83, %swap3A_84, %swap3A_85] {strides = array<i32>} : memref<2x80x128xf32, #tpu.memory_space<vmem>>, vector<1x1x16xf32>,
      %swap3A_87 = vector.shape_cast %swap3A_86 : vector<1x1x16xf32> to vector<16xf32>
      %swap3A_88 = vector.shape_cast %broadcast_in_dim3A_1 : vector<16xf32> to vector<1x1x16xf32>
      tpu.vector_store %arg8[%swap3A_83, %swap3A_84, %swap3A_85], %swap3A_88 {strides = array<i32>} : memref<2x80x128xf32, #tpu.memory_space<vmem>>, vector<1x1x16xf32>,
      %swap3A_89 = arith.constant 0 : i32
      %swap3A_90 = arith.index_cast %swap3A_89 : i32 to index
      %swap3A_91 = arith.index_cast %scan3A_47 : i32 to index
      %swap3A_92 = arith.constant 96 : index
      %swap3A_93 = tpu.vector_load %arg8[%swap3A_90, %swap3A_91, %swap3A_92] {strides = array<i32>} : memref<2x80x128xf32, #tpu.memory_space<vmem>>, vector<1x1x16xf32>,
      %swap3A_94 = vector.shape_cast %swap3A_93 : vector<1x1x16xf32> to vector<16xf32>
      %swap3A_95 = vector.shape_cast %broadcast_in_dim3A_1 : vector<16xf32> to vector<1x1x16xf32>
      tpu.vector_store %arg8[%swap3A_90, %swap3A_91, %swap3A_92], %swap3A_95 {strides = array<i32>} : memref<2x80x128xf32, #tpu.memory_space<vmem>>, vector<1x1x16xf32>,
      %swap3A_96 = arith.constant 0 : i32
      %swap3A_97 = arith.index_cast %swap3A_96 : i32 to index
      %swap3A_98 = arith.index_cast %scan3A_47 : i32 to index
      %swap3A_99 = arith.constant 112 : index
      %swap3A_100 = tpu.vector_load %arg8[%swap3A_97, %swap3A_98, %swap3A_99] {strides = array<i32>} : memref<2x80x128xf32, #tpu.memory_space<vmem>>, vector<1x1x16xf32>,
      %swap3A_101 = vector.shape_cast %swap3A_100 : vector<1x1x16xf32> to vector<16xf32>
      %swap3A_102 = vector.shape_cast %broadcast_in_dim3A_1 : vector<16xf32> to vector<1x1x16xf32>
      tpu.vector_store %arg8[%swap3A_97, %swap3A_98, %swap3A_99], %swap3A_102 {strides = array<i32>} : memref<2x80x128xf32, #tpu.memory_space<vmem>>, vector<1x1x16xf32>,
    }
    %scan3A_6 = arith.constant 80 : i32
    %mul3A_7 = arith.constant 640 : i32
    %mul3A_8 = arith.muli %arg1, %mul3A_7 : i32
    %scan3A_9 = arith.constant 0 : i32
    %scan3A_10 = arith.constant 0 : i32
    %scan3A_11 = arith.constant 8 : i32
    %scan3A_12 = arith.addi %scan3A_10, %scan3A_11 : i32
    %scan3A_13 = arith.constant 1 : i32
    scf.for %scan3A_47 = %scan3A_10 to %scan3A_12 step %scan3A_13  : i32 {
      %mul3A_48 = arith.constant 80 : i32
      %mul3A_49 = arith.muli %scan3A_47, %mul3A_48 : i32
      %add3A_50 = arith.addi %mul3A_8, %mul3A_49 : i32
      %run_scoped3A_51 = arith.constant 0 : i32
      "tpu.region"() ({
        %run_scoped3A_52 = tpu.sem_alloc : memref<!tpu.dma_semaphore, #tpu.memory_space<semaphore_mem>>
        %dma_start3A_53 = arith.constant 0 : i32
        %dma_start3A_54 = arith.constant 0 : i32
        %dma_start3A_55 = tpu.memref_slice %arg8[%run_scoped3A_51, %dma_start3A_53, %dma_start3A_54] : memref<2x80x128xf32, #tpu.memory_space<vmem>> -> memref<1x80x128xf32, #tpu.memory_space<vmem>>
        %dma_start3A_56 = tpu.memref_squeeze %dma_start3A_55 : memref<1x80x128xf32, #tpu.memory_space<vmem>> -> memref<80x128xf32, #tpu.memory_space<vmem>>
        %dma_start3A_57 = arith.constant 0 : i32
        %dma_start3A_58 = tpu.memref_slice %arg9[%add3A_50, %dma_start3A_57] : memref<10240x128xf32, #tpu.memory_space<vmem_shared>> -> memref<80x128xf32, #tpu.memory_space<vmem_shared>>
        %dma_start3A_59 = arith.constant 0 : i32
        %dma_start3A_60 = tpu.memref_slice %arg9[%add3A_50, %dma_start3A_59] : memref<10240x128xf32, #tpu.memory_space<vmem_shared>> -> memref<80x128xf32, #tpu.memory_space<vmem_shared>>
        %dma_start3A_61 = arith.constant 0 : i32
        %dma_start3A_62 = arith.constant 0 : i32
        %dma_start3A_63 = tpu.memref_slice %arg8[%run_scoped3A_51, %dma_start3A_61, %dma_start3A_62] : memref<2x80x128xf32, #tpu.memory_space<vmem>> -> memref<1x80x128xf32, #tpu.memory_space<vmem>>
        %dma_start3A_64 = tpu.memref_squeeze %dma_start3A_63 : memref<1x80x128xf32, #tpu.memory_space<vmem>> -> memref<80x128xf32, #tpu.memory_space<vmem>>
        tpu.enqueue_dma source(%dma_start3A_64 : memref<80x128xf32, #tpu.memory_space<vmem>>) target(%dma_start3A_60 : memref<80x128xf32, #tpu.memory_space<vmem_shared>>) target_semaphore(%run_scoped3A_52 : memref<!tpu.dma_semaphore, #tpu.memory_space<semaphore_mem>>)
        %dma_wait3A_65 = arith.constant 0 : i32
        %dma_wait3A_66 = arith.constant 0 : i32
        %dma_wait3A_67 = tpu.memref_slice %arg8[%run_scoped3A_51, %dma_wait3A_65, %dma_wait3A_66] : memref<2x80x128xf32, #tpu.memory_space<vmem>> -> memref<1x80x128xf32, #tpu.memory_space<vmem>>
        %dma_wait3A_68 = tpu.memref_squeeze %dma_wait3A_67 : memref<1x80x128xf32, #tpu.memory_space<vmem>> -> memref<80x128xf32, #tpu.memory_space<vmem>>
        %dma_wait3A_69 = arith.constant 0 : i32
        %dma_wait3A_70 = tpu.memref_slice %arg9[%add3A_50, %dma_wait3A_69] : memref<10240x128xf32, #tpu.memory_space<vmem_shared>> -> memref<80x128xf32, #tpu.memory_space<vmem_shared>>
        %dma_wait3A_71 = arith.constant 0 : i32
        %dma_wait3A_72 = tpu.memref_slice %arg9[%add3A_50, %dma_wait3A_71] : memref<10240x128xf32, #tpu.memory_space<vmem_shared>> -> memref<80x128xf32, #tpu.memory_space<vmem_shared>>
        %dma_wait3A_73 = arith.constant 0 : i32
        %dma_wait3A_74 = arith.constant 0 : i32
        %dma_wait3A_75 = tpu.memref_slice %arg8[%run_scoped3A_51, %dma_wait3A_73, %dma_wait3A_74] : memref<2x80x128xf32, #tpu.memory_space<vmem>> -> memref<1x80x128xf32, #tpu.memory_space<vmem>>
        %dma_wait3A_76 = tpu.memref_squeeze %dma_wait3A_75 : memref<1x80x128xf32, #tpu.memory_space<vmem>> -> memref<80x128xf32, #tpu.memory_space<vmem>>
        tpu.wait_dma2 semaphore(%run_scoped3A_52 : memref<!tpu.dma_semaphore, #tpu.memory_space<semaphore_mem>>) src(%dma_wait3A_76 : memref<80x128xf32, #tpu.memory_space<vmem>>) dst(%dma_wait3A_72 : memref<80x128xf32, #tpu.memory_space<vmem_shared>>)
        tpu.yield
      }) : () -> ()
    }
    %scan3A_14 = arith.constant 8 : i32
    "tpu.region"() ({
      %run_scoped3A_47 = tpu.sem_alloc : memref<!tpu.dma_semaphore, #tpu.memory_space<semaphore_mem>>
      %dma_start3A_48 = arith.constant 0 : i32
      %dma_start3A_49 = tpu.memref_slice %arg3[%add3A, %dma_start3A_48] : memref<32x10000xi32, #tpu.memory_space<hbm>> -> memref<1x10000xi32, #tpu.memory_space<hbm>>
      %dma_start3A_50 = tpu.memref_squeeze %dma_start3A_49 : memref<1x10000xi32, #tpu.memory_space<hbm>> -> memref<10000xi32, #tpu.memory_space<hbm>>
      %dma_start3A_51 = arith.constant 0 : i32
      %dma_start3A_52 = tpu.memref_slice %arg3[%add3A, %dma_start3A_51] : memref<32x10000xi32, #tpu.memory_space<hbm>> -> memref<1x10000xi32, #tpu.memory_space<hbm>>
      %dma_start3A_53 = tpu.memref_squeeze %dma_start3A_52 : memref<1x10000xi32, #tpu.memory_space<hbm>> -> memref<10000xi32, #tpu.memory_space<hbm>>
      tpu.enqueue_dma source(%dma_start3A_53 : memref<10000xi32, #tpu.memory_space<hbm>>) target(%arg6 : memref<10000xi32, #tpu.memory_space<vmem>>) target_semaphore(%run_scoped3A_47 : memref<!tpu.dma_semaphore, #tpu.memory_space<semaphore_mem>>)
      %dma_wait3A_54 = arith.constant 0 : i32
      %dma_wait3A_55 = tpu.memref_slice %arg3[%add3A, %dma_wait3A_54] : memref<32x10000xi32, #tpu.memory_space<hbm>> -> memref<1x10000xi32, #tpu.memory_space<hbm>>
      %dma_wait3A_56 = tpu.memref_squeeze %dma_wait3A_55 : memref<1x10000xi32, #tpu.memory_space<hbm>> -> memref<10000xi32, #tpu.memory_space<hbm>>
      %dma_wait3A_57 = arith.constant 0 : i32
      %dma_wait3A_58 = tpu.memref_slice %arg3[%add3A, %dma_wait3A_57] : memref<32x10000xi32, #tpu.memory_space<hbm>> -> memref<1x10000xi32, #tpu.memory_space<hbm>>
      %dma_wait3A_59 = tpu.memref_squeeze %dma_wait3A_58 : memref<1x10000xi32, #tpu.memory_space<hbm>> -> memref<10000xi32, #tpu.memory_space<hbm>>
      tpu.wait_dma2 semaphore(%run_scoped3A_47 : memref<!tpu.dma_semaphore, #tpu.memory_space<semaphore_mem>>) src(%dma_wait3A_59 : memref<10000xi32, #tpu.memory_space<hbm>>) dst(%arg6 : memref<10000xi32, #tpu.memory_space<vmem>>)
      tpu.yield
    }) : () -> ()
    "tpu.region"() ({
      %run_scoped3A_47 = tpu.sem_alloc : memref<!tpu.dma_semaphore, #tpu.memory_space<semaphore_mem>>
      %dma_start3A_48 = arith.constant 0 : i32
      %dma_start3A_49 = arith.constant 0 : i32
      %dma_start3A_50 = tpu.memref_slice %arg4[%add3A, %dma_start3A_48, %dma_start3A_49] : memref<32x125x80xi32, #tpu.memory_space<hbm>> -> memref<1x125x80xi32, #tpu.memory_space<hbm>>
      %dma_start3A_51 = tpu.memref_squeeze %dma_start3A_50 : memref<1x125x80xi32, #tpu.memory_space<hbm>> -> memref<125x80xi32, #tpu.memory_space<hbm>>
      %dma_start3A_52 = arith.constant 0 : i32
      %dma_start3A_53 = arith.constant 0 : i32
      %dma_start3A_54 = tpu.memref_slice %arg4[%add3A, %dma_start3A_52, %dma_start3A_53] : memref<32x125x80xi32, #tpu.memory_space<hbm>> -> memref<1x125x80xi32, #tpu.memory_space<hbm>>
      %dma_start3A_55 = tpu.memref_squeeze %dma_start3A_54 : memref<1x125x80xi32, #tpu.memory_space<hbm>> -> memref<125x80xi32, #tpu.memory_space<hbm>>
      tpu.enqueue_dma source(%dma_start3A_55 : memref<125x80xi32, #tpu.memory_space<hbm>>) target(%arg7 : memref<125x80xi32, #tpu.memory_space<vmem>>) target_semaphore(%run_scoped3A_47 : memref<!tpu.dma_semaphore, #tpu.memory_space<semaphore_mem>>)
      %dma_wait3A_56 = arith.constant 0 : i32
      %dma_wait3A_57 = arith.constant 0 : i32
      %dma_wait3A_58 = tpu.memref_slice %arg4[%add3A, %dma_wait3A_56, %dma_wait3A_57] : memref<32x125x80xi32, #tpu.memory_space<hbm>> -> memref<1x125x80xi32, #tpu.memory_space<hbm>>
      %dma_wait3A_59 = tpu.memref_squeeze %dma_wait3A_58 : memref<1x125x80xi32, #tpu.memory_space<hbm>> -> memref<125x80xi32, #tpu.memory_space<hbm>>
      %dma_wait3A_60 = arith.constant 0 : i32
      %dma_wait3A_61 = arith.constant 0 : i32
      %dma_wait3A_62 = tpu.memref_slice %arg4[%add3A, %dma_wait3A_60, %dma_wait3A_61] : memref<32x125x80xi32, #tpu.memory_space<hbm>> -> memref<1x125x80xi32, #tpu.memory_space<hbm>>
      %dma_wait3A_63 = tpu.memref_squeeze %dma_wait3A_62 : memref<1x125x80xi32, #tpu.memory_space<hbm>> -> memref<125x80xi32, #tpu.memory_space<hbm>>
      tpu.wait_dma2 semaphore(%run_scoped3A_47 : memref<!tpu.dma_semaphore, #tpu.memory_space<semaphore_mem>>) src(%dma_wait3A_63 : memref<125x80xi32, #tpu.memory_space<hbm>>) dst(%arg7 : memref<125x80xi32, #tpu.memory_space<vmem>>)
      tpu.yield
    }) : () -> ()
    %barrier3A = arith.constant 0 : index
    tpu.barrier barrier_id(%barrier3A)
    %dma_start3A = arith.constant 0 : i32
    %dma_start3A_15 = arith.constant 0 : i32
    %dma_start3A_16 = arith.constant 0 : i32
    %dma_start3A_17 = tpu.memref_slice %arg8[%dma_start3A, %dma_start3A_15, %dma_start3A_16] : memref<2x80x128xf32, #tpu.memory_space<vmem>> -> memref<1x80x128xf32, #tpu.memory_space<vmem>>
    %dma_start3A_18 = tpu.memref_squeeze %dma_start3A_17 : memref<1x80x128xf32, #tpu.memory_space<vmem>> -> memref<80x128xf32, #tpu.memory_space<vmem>>
    %dma_start3A_19 = arith.constant 0 : i32
    %dma_start3A_20 = tpu.memref_slice %arg6[%dma_start3A_19] : memref<10000xi32, #tpu.memory_space<vmem>> -> memref<80xi32, #tpu.memory_space<vmem>>
    %dma_start3A_21 = arith.constant 0 : i32
    %dma_start3A_22 = arith.constant 0 : i32
    %dma_start3A_23 = tpu.memref_slice %arg2[%dma_start3A_21, %dma_start3A_22] : memref<10000x128xf32, #tpu.memory_space<hbm>> -> memref<10000x128xf32, #tpu.memory_space<hbm>>
    tpu.enqueue_indirect_dma source(%dma_start3A_23 : memref<10000x128xf32, #tpu.memory_space<hbm>>) target(%dma_start3A_18 : memref<80x128xf32, #tpu.memory_space<vmem>>) offsets(%dma_start3A_20 : memref<80xi32, #tpu.memory_space<vmem>>) semaphore(%arg10 : memref<!tpu.dma_semaphore, #tpu.memory_space<semaphore_mem>>)
    %scan3A_24 = arith.constant 0 : i32
    %scan3A_25 = arith.constant 0 : i32
    %scan3A_26 = arith.constant 62 : i32
    %scan3A_27 = arith.addi %scan3A_25, %scan3A_26 : i32
    %scan3A_28 = arith.constant 1 : i32
    scf.for %scan3A_47 = %scan3A_25 to %scan3A_27 step %scan3A_28  : i32 {
      %mul3A_48 = arith.constant 2 : i32
      %mul3A_49 = arith.muli %mul3A_48, %scan3A_47 : i32
      %add3A_50 = arith.constant 1 : i32
      %add3A_51 = arith.addi %mul3A_49, %add3A_50 : i32
      %mul3A_52 = arith.constant 80 : i32
      %mul3A_53 = arith.muli %add3A_51, %mul3A_52 : i32
      %dma_start3A_54 = arith.constant 1 : i32
      %dma_start3A_55 = arith.constant 0 : i32
      %dma_start3A_56 = arith.constant 0 : i32
      %dma_start3A_57 = tpu.memref_slice %arg8[%dma_start3A_54, %dma_start3A_55, %dma_start3A_56] : memref<2x80x128xf32, #tpu.memory_space<vmem>> -> memref<1x80x128xf32, #tpu.memory_space<vmem>>
      %dma_start3A_58 = tpu.memref_squeeze %dma_start3A_57 : memref<1x80x128xf32, #tpu.memory_space<vmem>> -> memref<80x128xf32, #tpu.memory_space<vmem>>
      %dma_start3A_59 = tpu.memref_slice %arg6[%mul3A_53] : memref<10000xi32, #tpu.memory_space<vmem>> -> memref<80xi32, #tpu.memory_space<vmem>>
      %dma_start3A_60 = arith.constant 0 : i32
      %dma_start3A_61 = arith.constant 0 : i32
      %dma_start3A_62 = tpu.memref_slice %arg2[%dma_start3A_60, %dma_start3A_61] : memref<10000x128xf32, #tpu.memory_space<hbm>> -> memref<10000x128xf32, #tpu.memory_space<hbm>>
      tpu.enqueue_indirect_dma source(%dma_start3A_62 : memref<10000x128xf32, #tpu.memory_space<hbm>>) target(%dma_start3A_58 : memref<80x128xf32, #tpu.memory_space<vmem>>) offsets(%dma_start3A_59 : memref<80xi32, #tpu.memory_space<vmem>>) semaphore(%arg11 : memref<!tpu.dma_semaphore, #tpu.memory_space<semaphore_mem>>)
      %mul3A_63 = arith.constant 80 : i32
      %mul3A_64 = arith.muli %mul3A_49, %mul3A_63 : i32
      %dma_wait3A_65 = arith.constant 0 : i32
      %dma_wait3A_66 = arith.constant 0 : i32
      %dma_wait3A_67 = arith.constant 0 : i32
      %dma_wait3A_68 = tpu.memref_slice %arg8[%dma_wait3A_65, %dma_wait3A_66, %dma_wait3A_67] : memref<2x80x128xf32, #tpu.memory_space<vmem>> -> memref<1x80x128xf32, #tpu.memory_space<vmem>>
      %dma_wait3A_69 = tpu.memref_squeeze %dma_wait3A_68 : memref<1x80x128xf32, #tpu.memory_space<vmem>> -> memref<80x128xf32, #tpu.memory_space<vmem>>
      %dma_wait3A_70 = tpu.memref_slice %arg6[%mul3A_64] : memref<10000xi32, #tpu.memory_space<vmem>> -> memref<80xi32, #tpu.memory_space<vmem>>
      %dma_wait3A_71 = arith.constant 0 : i32
      %dma_wait3A_72 = arith.constant 0 : i32
      %dma_wait3A_73 = tpu.memref_slice %arg2[%dma_wait3A_71, %dma_wait3A_72] : memref<10000x128xf32, #tpu.memory_space<hbm>> -> memref<10000x128xf32, #tpu.memory_space<hbm>>
      tpu.wait_indirect_dma semaphore(%arg10 : memref<!tpu.dma_semaphore, #tpu.memory_space<semaphore_mem>>) src(%dma_wait3A_73 : memref<10000x128xf32, #tpu.memory_space<hbm>>) dst(%dma_wait3A_69 : memref<80x128xf32, #tpu.memory_space<vmem>>)
      %run_scoped3A_74 = arith.constant 0 : i32
      "tpu.region"() ({
        %run_scoped3A_104 = tpu.sem_alloc : memref<!tpu.dma_semaphore, #tpu.memory_space<semaphore_mem>>
        %dma_start3A_105 = arith.constant 0 : i32
        %dma_start3A_106 = arith.constant 0 : i32
        %dma_start3A_107 = tpu.memref_slice %arg8[%run_scoped3A_74, %dma_start3A_105, %dma_start3A_106] : memref<2x80x128xf32, #tpu.memory_space<vmem>> -> memref<1x80x128xf32, #tpu.memory_space<vmem>>
        %dma_start3A_108 = tpu.memref_squeeze %dma_start3A_107 : memref<1x80x128xf32, #tpu.memory_space<vmem>> -> memref<80x128xf32, #tpu.memory_space<vmem>>
        %dma_start3A_109 = arith.constant 0 : i32
        %dma_start3A_110 = tpu.memref_slice %arg7[%mul3A_49, %dma_start3A_109] : memref<125x80xi32, #tpu.memory_space<vmem>> -> memref<1x80xi32, #tpu.memory_space<vmem>>
        %dma_start3A_111 = tpu.memref_squeeze %dma_start3A_110 : memref<1x80xi32, #tpu.memory_space<vmem>> -> memref<80xi32, #tpu.memory_space<vmem>>
        %dma_start3A_112 = arith.constant 0 : i32
        %dma_start3A_113 = arith.constant 0 : i32
        %dma_start3A_114 = tpu.memref_slice %arg9[%dma_start3A_112, %dma_start3A_113] : memref<10240x128xf32, #tpu.memory_space<vmem_shared>> -> memref<10240x128xf32, #tpu.memory_space<vmem_shared>>
        tpu.enqueue_indirect_dma source(%dma_start3A_108 : memref<80x128xf32, #tpu.memory_space<vmem>>) target(%dma_start3A_114 : memref<10240x128xf32, #tpu.memory_space<vmem_shared>>) offsets(%dma_start3A_111 : memref<80xi32, #tpu.memory_space<vmem>>) semaphore(%run_scoped3A_104 : memref<!tpu.dma_semaphore, #tpu.memory_space<semaphore_mem>>) {add = true}
        %dma_wait3A_115 = arith.constant 0 : i32
        %dma_wait3A_116 = arith.constant 0 : i32
        %dma_wait3A_117 = tpu.memref_slice %arg8[%run_scoped3A_74, %dma_wait3A_115, %dma_wait3A_116] : memref<2x80x128xf32, #tpu.memory_space<vmem>> -> memref<1x80x128xf32, #tpu.memory_space<vmem>>
        %dma_wait3A_118 = tpu.memref_squeeze %dma_wait3A_117 : memref<1x80x128xf32, #tpu.memory_space<vmem>> -> memref<80x128xf32, #tpu.memory_space<vmem>>
        %dma_wait3A_119 = arith.constant 0 : i32
        %dma_wait3A_120 = tpu.memref_slice %arg7[%mul3A_49, %dma_wait3A_119] : memref<125x80xi32, #tpu.memory_space<vmem>> -> memref<1x80xi32, #tpu.memory_space<vmem>>
        %dma_wait3A_121 = tpu.memref_squeeze %dma_wait3A_120 : memref<1x80xi32, #tpu.memory_space<vmem>> -> memref<80xi32, #tpu.memory_space<vmem>>
        %dma_wait3A_122 = arith.constant 0 : i32
        %dma_wait3A_123 = arith.constant 0 : i32
        %dma_wait3A_124 = tpu.memref_slice %arg9[%dma_wait3A_122, %dma_wait3A_123] : memref<10240x128xf32, #tpu.memory_space<vmem_shared>> -> memref<10240x128xf32, #tpu.memory_space<vmem_shared>>
        tpu.wait_indirect_dma semaphore(%run_scoped3A_104 : memref<!tpu.dma_semaphore, #tpu.memory_space<semaphore_mem>>) src(%dma_wait3A_118 : memref<80x128xf32, #tpu.memory_space<vmem>>) dst(%dma_wait3A_124 : memref<10240x128xf32, #tpu.memory_space<vmem_shared>>)
        tpu.yield
      }) : () -> ()
      %add3A_75 = arith.constant 2 : i32
      %add3A_76 = arith.addi %mul3A_49, %add3A_75 : i32
      %mul3A_77 = arith.constant 80 : i32
      %mul3A_78 = arith.muli %add3A_76, %mul3A_77 : i32
      %dma_start3A_79 = arith.constant 0 : i32
      %dma_start3A_80 = arith.constant 0 : i32
      %dma_start3A_81 = arith.constant 0 : i32
      %dma_start3A_82 = tpu.memref_slice %arg8[%dma_start3A_79, %dma_start3A_80, %dma_start3A_81] : memref<2x80x128xf32, #tpu.memory_space<vmem>> -> memref<1x80x128xf32, #tpu.memory_space<vmem>>
      %dma_start3A_83 = tpu.memref_squeeze %dma_start3A_82 : memref<1x80x128xf32, #tpu.memory_space<vmem>> -> memref<80x128xf32, #tpu.memory_space<vmem>>
      %dma_start3A_84 = tpu.memref_slice %arg6[%mul3A_78] : memref<10000xi32, #tpu.memory_space<vmem>> -> memref<80xi32, #tpu.memory_space<vmem>>
      %dma_start3A_85 = arith.constant 0 : i32
      %dma_start3A_86 = arith.constant 0 : i32
      %dma_start3A_87 = tpu.memref_slice %arg2[%dma_start3A_85, %dma_start3A_86] : memref<10000x128xf32, #tpu.memory_space<hbm>> -> memref<10000x128xf32, #tpu.memory_space<hbm>>
      tpu.enqueue_indirect_dma source(%dma_start3A_87 : memref<10000x128xf32, #tpu.memory_space<hbm>>) target(%dma_start3A_83 : memref<80x128xf32, #tpu.memory_space<vmem>>) offsets(%dma_start3A_84 : memref<80xi32, #tpu.memory_space<vmem>>) semaphore(%arg10 : memref<!tpu.dma_semaphore, #tpu.memory_space<semaphore_mem>>)
      %add3A_88 = arith.constant 1 : i32
      %add3A_89 = arith.addi %mul3A_49, %add3A_88 : i32
      %mul3A_90 = arith.constant 80 : i32
      %mul3A_91 = arith.muli %add3A_89, %mul3A_90 : i32
      %dma_wait3A_92 = arith.constant 1 : i32
      %dma_wait3A_93 = arith.constant 0 : i32
      %dma_wait3A_94 = arith.constant 0 : i32
      %dma_wait3A_95 = tpu.memref_slice %arg8[%dma_wait3A_92, %dma_wait3A_93, %dma_wait3A_94] : memref<2x80x128xf32, #tpu.memory_space<vmem>> -> memref<1x80x128xf32, #tpu.memory_space<vmem>>
      %dma_wait3A_96 = tpu.memref_squeeze %dma_wait3A_95 : memref<1x80x128xf32, #tpu.memory_space<vmem>> -> memref<80x128xf32, #tpu.memory_space<vmem>>
      %dma_wait3A_97 = tpu.memref_slice %arg6[%mul3A_91] : memref<10000xi32, #tpu.memory_space<vmem>> -> memref<80xi32, #tpu.memory_space<vmem>>
      %dma_wait3A_98 = arith.constant 0 : i32
      %dma_wait3A_99 = arith.constant 0 : i32
      %dma_wait3A_100 = tpu.memref_slice %arg2[%dma_wait3A_98, %dma_wait3A_99] : memref<10000x128xf32, #tpu.memory_space<hbm>> -> memref<10000x128xf32, #tpu.memory_space<hbm>>
      tpu.wait_indirect_dma semaphore(%arg11 : memref<!tpu.dma_semaphore, #tpu.memory_space<semaphore_mem>>) src(%dma_wait3A_100 : memref<10000x128xf32, #tpu.memory_space<hbm>>) dst(%dma_wait3A_96 : memref<80x128xf32, #tpu.memory_space<vmem>>)
      %add3A_101 = arith.constant 1 : i32
      %add3A_102 = arith.addi %mul3A_49, %add3A_101 : i32
      %run_scoped3A_103 = arith.constant 1 : i32
      "tpu.region"() ({
        %run_scoped3A_104 = tpu.sem_alloc : memref<!tpu.dma_semaphore, #tpu.memory_space<semaphore_mem>>
        %dma_start3A_105 = arith.constant 0 : i32
        %dma_start3A_106 = arith.constant 0 : i32
        %dma_start3A_107 = tpu.memref_slice %arg8[%run_scoped3A_103, %dma_start3A_105, %dma_start3A_106] : memref<2x80x128xf32, #tpu.memory_space<vmem>> -> memref<1x80x128xf32, #tpu.memory_space<vmem>>
        %dma_start3A_108 = tpu.memref_squeeze %dma_start3A_107 : memref<1x80x128xf32, #tpu.memory_space<vmem>> -> memref<80x128xf32, #tpu.memory_space<vmem>>
        %dma_start3A_109 = arith.constant 0 : i32
        %dma_start3A_110 = tpu.memref_slice %arg7[%add3A_102, %dma_start3A_109] : memref<125x80xi32, #tpu.memory_space<vmem>> -> memref<1x80xi32, #tpu.memory_space<vmem>>
        %dma_start3A_111 = tpu.memref_squeeze %dma_start3A_110 : memref<1x80xi32, #tpu.memory_space<vmem>> -> memref<80xi32, #tpu.memory_space<vmem>>
        %dma_start3A_112 = arith.constant 0 : i32
        %dma_start3A_113 = arith.constant 0 : i32
        %dma_start3A_114 = tpu.memref_slice %arg9[%dma_start3A_112, %dma_start3A_113] : memref<10240x128xf32, #tpu.memory_space<vmem_shared>> -> memref<10240x128xf32, #tpu.memory_space<vmem_shared>>
        tpu.enqueue_indirect_dma source(%dma_start3A_108 : memref<80x128xf32, #tpu.memory_space<vmem>>) target(%dma_start3A_114 : memref<10240x128xf32, #tpu.memory_space<vmem_shared>>) offsets(%dma_start3A_111 : memref<80xi32, #tpu.memory_space<vmem>>) semaphore(%run_scoped3A_104 : memref<!tpu.dma_semaphore, #tpu.memory_space<semaphore_mem>>) {add = true}
        %dma_wait3A_115 = arith.constant 0 : i32
        %dma_wait3A_116 = arith.constant 0 : i32
        %dma_wait3A_117 = tpu.memref_slice %arg8[%run_scoped3A_103, %dma_wait3A_115, %dma_wait3A_116] : memref<2x80x128xf32, #tpu.memory_space<vmem>> -> memref<1x80x128xf32, #tpu.memory_space<vmem>>
        %dma_wait3A_118 = tpu.memref_squeeze %dma_wait3A_117 : memref<1x80x128xf32, #tpu.memory_space<vmem>> -> memref<80x128xf32, #tpu.memory_space<vmem>>
        %dma_wait3A_119 = arith.constant 0 : i32
        %dma_wait3A_120 = tpu.memref_slice %arg7[%add3A_102, %dma_wait3A_119] : memref<125x80xi32, #tpu.memory_space<vmem>> -> memref<1x80xi32, #tpu.memory_space<vmem>>
        %dma_wait3A_121 = tpu.memref_squeeze %dma_wait3A_120 : memref<1x80xi32, #tpu.memory_space<vmem>> -> memref<80xi32, #tpu.memory_space<vmem>>
        %dma_wait3A_122 = arith.constant 0 : i32
        %dma_wait3A_123 = arith.constant 0 : i32
        %dma_wait3A_124 = tpu.memref_slice %arg9[%dma_wait3A_122, %dma_wait3A_123] : memref<10240x128xf32, #tpu.memory_space<vmem_shared>> -> memref<10240x128xf32, #tpu.memory_space<vmem_shared>>
        tpu.wait_indirect_dma semaphore(%run_scoped3A_104 : memref<!tpu.dma_semaphore, #tpu.memory_space<semaphore_mem>>) src(%dma_wait3A_118 : memref<80x128xf32, #tpu.memory_space<vmem>>) dst(%dma_wait3A_124 : memref<10240x128xf32, #tpu.memory_space<vmem_shared>>)
        tpu.yield
      }) : () -> ()
    }
    %scan3A_29 = arith.constant 62 : i32
    %dma_wait3A = arith.constant 0 : i32
    %dma_wait3A_30 = arith.constant 0 : i32
    %dma_wait3A_31 = arith.constant 0 : i32
    %dma_wait3A_32 = tpu.memref_slice %arg8[%dma_wait3A, %dma_wait3A_30, %dma_wait3A_31] : memref<2x80x128xf32, #tpu.memory_space<vmem>> -> memref<1x80x128xf32, #tpu.memory_space<vmem>>
    %dma_wait3A_33 = tpu.memref_squeeze %dma_wait3A_32 : memref<1x80x128xf32, #tpu.memory_space<vmem>> -> memref<80x128xf32, #tpu.memory_space<vmem>>
    %dma_wait3A_34 = arith.constant 9920 : i32
    %dma_wait3A_35 = tpu.memref_slice %arg6[%dma_wait3A_34] : memref<10000xi32, #tpu.memory_space<vmem>> -> memref<80xi32, #tpu.memory_space<vmem>>
    %dma_wait3A_36 = arith.constant 0 : i32
    %dma_wait3A_37 = arith.constant 0 : i32
    %dma_wait3A_38 = tpu.memref_slice %arg2[%dma_wait3A_36, %dma_wait3A_37] : memref<10000x128xf32, #tpu.memory_space<hbm>> -> memref<10000x128xf32, #tpu.memory_space<hbm>>
    tpu.wait_indirect_dma semaphore(%arg10 : memref<!tpu.dma_semaphore, #tpu.memory_space<semaphore_mem>>) src(%dma_wait3A_38 : memref<10000x128xf32, #tpu.memory_space<hbm>>) dst(%dma_wait3A_33 : memref<80x128xf32, #tpu.memory_space<vmem>>)
    %run_scoped3A = arith.constant 0 : i32
    %run_scoped3A_39 = arith.constant 124 : i32
    "tpu.region"() ({
      %run_scoped3A_47 = tpu.sem_alloc : memref<!tpu.dma_semaphore, #tpu.memory_space<semaphore_mem>>
      %dma_start3A_48 = arith.constant 0 : i32
      %dma_start3A_49 = arith.constant 0 : i32
      %dma_start3A_50 = tpu.memref_slice %arg8[%run_scoped3A, %dma_start3A_48, %dma_start3A_49] : memref<2x80x128xf32, #tpu.memory_space<vmem>> -> memref<1x80x128xf32, #tpu.memory_space<vmem>>
      %dma_start3A_51 = tpu.memref_squeeze %dma_start3A_50 : memref<1x80x128xf32, #tpu.memory_space<vmem>> -> memref<80x128xf32, #tpu.memory_space<vmem>>
      %dma_start3A_52 = arith.constant 0 : i32
      %dma_start3A_53 = tpu.memref_slice %arg7[%run_scoped3A_39, %dma_start3A_52] : memref<125x80xi32, #tpu.memory_space<vmem>> -> memref<1x80xi32, #tpu.memory_space<vmem>>
      %dma_start3A_54 = tpu.memref_squeeze %dma_start3A_53 : memref<1x80xi32, #tpu.memory_space<vmem>> -> memref<80xi32, #tpu.memory_space<vmem>>
      %dma_start3A_55 = arith.constant 0 : i32
      %dma_start3A_56 = arith.constant 0 : i32
      %dma_start3A_57 = tpu.memref_slice %arg9[%dma_start3A_55, %dma_start3A_56] : memref<10240x128xf32, #tpu.memory_space<vmem_shared>> -> memref<10240x128xf32, #tpu.memory_space<vmem_shared>>
      tpu.enqueue_indirect_dma source(%dma_start3A_51 : memref<80x128xf32, #tpu.memory_space<vmem>>) target(%dma_start3A_57 : memref<10240x128xf32, #tpu.memory_space<vmem_shared>>) offsets(%dma_start3A_54 : memref<80xi32, #tpu.memory_space<vmem>>) semaphore(%run_scoped3A_47 : memref<!tpu.dma_semaphore, #tpu.memory_space<semaphore_mem>>) {add = true}
      %dma_wait3A_58 = arith.constant 0 : i32
      %dma_wait3A_59 = arith.constant 0 : i32
      %dma_wait3A_60 = tpu.memref_slice %arg8[%run_scoped3A, %dma_wait3A_58, %dma_wait3A_59] : memref<2x80x128xf32, #tpu.memory_space<vmem>> -> memref<1x80x128xf32, #tpu.memory_space<vmem>>
      %dma_wait3A_61 = tpu.memref_squeeze %dma_wait3A_60 : memref<1x80x128xf32, #tpu.memory_space<vmem>> -> memref<80x128xf32, #tpu.memory_space<vmem>>
      %dma_wait3A_62 = arith.constant 0 : i32
      %dma_wait3A_63 = tpu.memref_slice %arg7[%run_scoped3A_39, %dma_wait3A_62] : memref<125x80xi32, #tpu.memory_space<vmem>> -> memref<1x80xi32, #tpu.memory_space<vmem>>
      %dma_wait3A_64 = tpu.memref_squeeze %dma_wait3A_63 : memref<1x80xi32, #tpu.memory_space<vmem>> -> memref<80xi32, #tpu.memory_space<vmem>>
      %dma_wait3A_65 = arith.constant 0 : i32
      %dma_wait3A_66 = arith.constant 0 : i32
      %dma_wait3A_67 = tpu.memref_slice %arg9[%dma_wait3A_65, %dma_wait3A_66] : memref<10240x128xf32, #tpu.memory_space<vmem_shared>> -> memref<10240x128xf32, #tpu.memory_space<vmem_shared>>
      tpu.wait_indirect_dma semaphore(%run_scoped3A_47 : memref<!tpu.dma_semaphore, #tpu.memory_space<semaphore_mem>>) src(%dma_wait3A_61 : memref<80x128xf32, #tpu.memory_space<vmem>>) dst(%dma_wait3A_67 : memref<10240x128xf32, #tpu.memory_space<vmem_shared>>)
      tpu.yield
    }) : () -> ()
    %barrier3A_40 = arith.constant 0 : index
    tpu.barrier barrier_id(%barrier3A_40)
    %scan3A_41 = arith.constant 0 : i32
    %scan3A_42 = arith.constant 0 : i32
    %scan3A_43 = arith.constant 8 : i32
    %scan3A_44 = arith.addi %scan3A_42, %scan3A_43 : i32
    %scan3A_45 = arith.constant 1 : i32
    scf.for %scan3A_47 = %scan3A_42 to %scan3A_44 step %scan3A_45  : i32 {
      %mul3A_48 = arith.constant 80 : i32
      %mul3A_49 = arith.muli %scan3A_47, %mul3A_48 : i32
      %add3A_50 = arith.addi %mul3A_8, %mul3A_49 : i32
      %mul3A_51 = arith.constant 80 : i32
      %mul3A_52 = arith.muli %scan3A_47, %mul3A_51 : i32
      %add3A_53 = arith.addi %mul3A_8, %mul3A_52 : i32
      "tpu.region"() ({
        %run_scoped3A_54 = tpu.sem_alloc : memref<!tpu.dma_semaphore, #tpu.memory_space<semaphore_mem>>
        %dma_start3A_55 = arith.constant 0 : i32
        %dma_start3A_56 = tpu.memref_slice %arg5[%arg0, %add3A_53, %dma_start3A_55] : memref<2x10240x128xf32, #tpu.memory_space<hbm>> -> memref<1x80x128xf32, #tpu.memory_space<hbm>>
        %dma_start3A_57 = tpu.memref_squeeze %dma_start3A_56 : memref<1x80x128xf32, #tpu.memory_space<hbm>> -> memref<80x128xf32, #tpu.memory_space<hbm>>
        %dma_start3A_58 = arith.constant 0 : i32
        %dma_start3A_59 = tpu.memref_slice %arg9[%add3A_50, %dma_start3A_58] : memref<10240x128xf32, #tpu.memory_space<vmem_shared>> -> memref<80x128xf32, #tpu.memory_space<vmem_shared>>
        tpu.enqueue_dma source(%dma_start3A_59 : memref<80x128xf32, #tpu.memory_space<vmem_shared>>) target(%dma_start3A_57 : memref<80x128xf32, #tpu.memory_space<hbm>>) target_semaphore(%run_scoped3A_54 : memref<!tpu.dma_semaphore, #tpu.memory_space<semaphore_mem>>)
        %dma_wait3A_60 = arith.constant 0 : i32
        %dma_wait3A_61 = tpu.memref_slice %arg5[%arg0, %add3A_53, %dma_wait3A_60] : memref<2x10240x128xf32, #tpu.memory_space<hbm>> -> memref<1x80x128xf32, #tpu.memory_space<hbm>>
        %dma_wait3A_62 = tpu.memref_squeeze %dma_wait3A_61 : memref<1x80x128xf32, #tpu.memory_space<hbm>> -> memref<80x128xf32, #tpu.memory_space<hbm>>
        %dma_wait3A_63 = arith.constant 0 : i32
        %dma_wait3A_64 = tpu.memref_slice %arg9[%add3A_50, %dma_wait3A_63] : memref<10240x128xf32, #tpu.memory_space<vmem_shared>> -> memref<80x128xf32, #tpu.memory_space<vmem_shared>>
        tpu.wait_dma2 semaphore(%run_scoped3A_54 : memref<!tpu.dma_semaphore, #tpu.memory_space<semaphore_mem>>) src(%dma_wait3A_64 : memref<80x128xf32, #tpu.memory_space<vmem_shared>>) dst(%dma_wait3A_62 : memref<80x128xf32, #tpu.memory_space<hbm>>)
        tpu.yield
      }) : () -> ()
    }
    %scan3A_46 = arith.constant 8 : i32
    return
  }
}

module attributes {stable_mosaic.version = 14 : i64} {
  func.func @_dense_body(%arg0: i32, %arg1: memref<1000x128xf32, #tpu.memory_space<vmem>>, %arg2: memref<1000x128xf32, #tpu.memory_space<vmem>>, %arg3: memref<1000x128xf32, #tpu.memory_space<vmem>>, %arg4: memref<2x1000x1xf32, #tpu.memory_space<vmem>>, %arg5: memref<128x128xf32, #tpu.memory_space<vmem>>, %arg6: memref<128x128xf32, #tpu.memory_space<vmem>>, %arg7: memref<1x128xf32, #tpu.memory_space<vmem>>, %arg8: memref<1000x128xf32, #tpu.memory_space<vmem>>) attributes {dimension_semantics = [#tpu.dimension_semantics<arbitrary>], iteration_bounds = array<i64: 10>, scalar_prefetch = 0 : i64, scratch_operands = 0 : i64, tpu.core_type = #tpu.core_type<tc>, window_params = [{transform_indices = @transform_0, window_bounds = array<i64: 1000, 128>}, {transform_indices = @transform_1, window_bounds = array<i64: 1000, 128>}, {transform_indices = @transform_2, window_bounds = array<i64: 1000, 128>}, {transform_indices = @transform_3, window_bounds = array<i64: 2, 1000, 1>}, {pipeline_mode = #tpu.pipeline_mode<synchronous>, transform_indices = @transform_4, window_bounds = array<i64: 128, 128>}, {pipeline_mode = #tpu.pipeline_mode<synchronous>, transform_indices = @transform_5, window_bounds = array<i64: 128, 128>}, {pipeline_mode = #tpu.pipeline_mode<synchronous>, transform_indices = @transform_6, window_bounds = array<i64: 1, 128>}, {transform_indices = @transform_7, window_bounds = array<i64: 1000, 128>}]} {
    %get3A = arith.constant 0 : index
    %get3A_0 = arith.constant 0 : index
    %get3A_1 = arith.constant 0 : index
    %get3A_2 = vector.load %arg4[%get3A, %get3A_0, %get3A_1] : memref<2x1000x1xf32, #tpu.memory_space<vmem>>, vector<2x1000x1xf32>
    %reduce_sum3A = arith.constant dense<0.000000e+00> : vector<1000x1xf32>
    %reduce_sum3A_3 = vector.multi_reduction <add>, %get3A_2, %reduce_sum3A [0] : vector<2x1000x1xf32> to vector<1000x1xf32>
    %max3A = arith.constant 1.000000e+00 : f32
    %max3A_4 = vector.broadcast %max3A : f32 to vector<1000x1xf32>
    %max3A_5 = arith.maximumf %reduce_sum3A_3, %max3A_4 : vector<1000x1xf32>
    %get3A_6 = arith.constant 0 : index
    %get3A_7 = arith.constant 0 : index
    %get3A_8 = vector.load %arg2[%get3A_6, %get3A_7] : memref<1000x128xf32, #tpu.memory_space<vmem>>, vector<1000x128xf32>
    %get3A_9 = arith.constant 0 : index
    %get3A_10 = arith.constant 0 : index
    %get3A_11 = vector.load %arg3[%get3A_9, %get3A_10] : memref<1000x128xf32, #tpu.memory_space<vmem>>, vector<1000x128xf32>
    %add3A = arith.addf %get3A_8, %get3A_11 : vector<1000x128xf32>
    %div3A = vector.broadcast %max3A_5 : vector<1000x1xf32> to vector<1000x128xf32>
    %div3A_12 = arith.divf %add3A, %div3A : vector<1000x128xf32>
    %get3A_13 = arith.constant 0 : index
    %get3A_14 = arith.constant 0 : index
    %get3A_15 = vector.load %arg1[%get3A_13, %get3A_14] : memref<1000x128xf32, #tpu.memory_space<vmem>>, vector<1000x128xf32>
    %get3A_16 = arith.constant 0 : index
    %get3A_17 = arith.constant 0 : index
    %get3A_18 = vector.load %arg5[%get3A_16, %get3A_17] : memref<128x128xf32, #tpu.memory_space<vmem>>, vector<128x128xf32>
    %dot_general3A = arith.constant dense<0.000000e+00> : vector<1000x128xf32>
    %dot_general3A_19 = tpu.matmul %get3A_15, %get3A_18, %dot_general3A {dimension_numbers = #tpu.dot_dimension_numbers<[1], [0], [0], [1], [0, 0, 1, 1], [], []>, transpose_lhs_hint = false} : vector<1000x128xf32>, vector<128x128xf32>, vector<1000x128xf32> -> vector<1000x128xf32>
    %get3A_20 = arith.constant 0 : index
    %get3A_21 = arith.constant 0 : index
    %get3A_22 = vector.load %arg6[%get3A_20, %get3A_21] : memref<128x128xf32, #tpu.memory_space<vmem>>, vector<128x128xf32>
    %dot_general3A_23 = arith.constant dense<0.000000e+00> : vector<1000x128xf32>
    %dot_general3A_24 = tpu.matmul %div3A_12, %get3A_22, %dot_general3A_23 {dimension_numbers = #tpu.dot_dimension_numbers<[1], [0], [0], [1], [0, 0, 1, 1], [], []>, transpose_lhs_hint = false} : vector<1000x128xf32>, vector<128x128xf32>, vector<1000x128xf32> -> vector<1000x128xf32>
    %add3A_25 = arith.addf %dot_general3A_19, %dot_general3A_24 : vector<1000x128xf32>
    %get3A_26 = arith.constant 0 : index
    %get3A_27 = arith.constant 0 : index
    %get3A_28 = vector.load %arg7[%get3A_26, %get3A_27] : memref<1x128xf32, #tpu.memory_space<vmem>>, vector<1x128xf32>
    %add3A_29 = vector.broadcast %get3A_28 : vector<1x128xf32> to vector<1000x128xf32>
    %add3A_30 = arith.addf %add3A_25, %add3A_29 : vector<1000x128xf32>
    %max3A_31 = arith.constant 0.000000e+00 : f32
    %max3A_32 = vector.broadcast %max3A_31 : f32 to vector<1000x128xf32>
    %max3A_33 = arith.maximumf %add3A_30, %max3A_32 : vector<1000x128xf32>
    %swap3A = arith.constant 0 : index
    %swap3A_34 = arith.constant 0 : index
    %swap3A_35 = vector.load %arg8[%swap3A, %swap3A_34] : memref<1000x128xf32, #tpu.memory_space<vmem>>, vector<1000x128xf32>
    tpu.vector_store %arg8[%swap3A, %swap3A_34], %max3A_33 {strides = array<i32>} : memref<1000x128xf32, #tpu.memory_space<vmem>>, vector<1000x128xf32>,
    return
  }
  func.func @transform_0(%arg0: i32) -> (i32, i32) {
    %c0_i32 = arith.constant 0 : i32
    %c0_i32_0 = arith.constant 0 : i32
    return %arg0, %c0_i32 : i32, i32
  }
  func.func @transform_1(%arg0: i32) -> (i32, i32) {
    %c0_i32 = arith.constant 0 : i32
    %c0_i32_0 = arith.constant 0 : i32
    return %arg0, %c0_i32 : i32, i32
  }
  func.func @transform_2(%arg0: i32) -> (i32, i32) {
    %c0_i32 = arith.constant 0 : i32
    %c0_i32_0 = arith.constant 0 : i32
    return %arg0, %c0_i32 : i32, i32
  }
  func.func @transform_3(%arg0: i32) -> (i32, i32, i32) {
    %c0_i32 = arith.constant 0 : i32
    %c0_i32_0 = arith.constant 0 : i32
    %c0_i32_1 = arith.constant 0 : i32
    return %c0_i32, %arg0, %c0_i32_0 : i32, i32, i32
  }
  func.func @transform_4(%arg0: i32) -> (i32, i32) {
    %c0_i32 = arith.constant 0 : i32
    %c0_i32_0 = arith.constant 0 : i32
    %c0_i32_1 = arith.constant 0 : i32
    return %c0_i32, %c0_i32_0 : i32, i32
  }
  func.func @transform_5(%arg0: i32) -> (i32, i32) {
    %c0_i32 = arith.constant 0 : i32
    %c0_i32_0 = arith.constant 0 : i32
    %c0_i32_1 = arith.constant 0 : i32
    return %c0_i32, %c0_i32_0 : i32, i32
  }
  func.func @transform_6(%arg0: i32) -> (i32, i32) {
    %c0_i32 = arith.constant 0 : i32
    %c0_i32_0 = arith.constant 0 : i32
    %c0_i32_1 = arith.constant 0 : i32
    return %c0_i32, %c0_i32_0 : i32, i32
  }
  func.func @transform_7(%arg0: i32) -> (i32, i32) {
    %c0_i32 = arith.constant 0 : i32
    %c0_i32_0 = arith.constant 0 : i32
    return %arg0, %c0_i32 : i32, i32
  }
}

module attributes {stable_mosaic.version = 14 : i64} {
  func.func @_dense_body(%arg0: i32, %arg1: memref<1000x128xf32, #tpu.memory_space<vmem>>, %arg2: memref<1000x128xf32, #tpu.memory_space<vmem>>, %arg3: memref<1000x128xf32, #tpu.memory_space<vmem>>, %arg4: memref<2x1000x1xf32, #tpu.memory_space<vmem>>, %arg5: memref<128x128xf32, #tpu.memory_space<vmem>>, %arg6: memref<128x128xf32, #tpu.memory_space<vmem>>, %arg7: memref<1x128xf32, #tpu.memory_space<vmem>>, %arg8: memref<128x128xf32, #tpu.memory_space<vmem>>, %arg9: memref<1x128xf32, #tpu.memory_space<vmem>>, %arg10: memref<1000x128xf32, #tpu.memory_space<vmem>>) attributes {dimension_semantics = [#tpu.dimension_semantics<arbitrary>], iteration_bounds = array<i64: 10>, scalar_prefetch = 0 : i64, scratch_operands = 0 : i64, tpu.core_type = #tpu.core_type<tc>, window_params = [{transform_indices = @transform_0, window_bounds = array<i64: 1000, 128>}, {transform_indices = @transform_1, window_bounds = array<i64: 1000, 128>}, {transform_indices = @transform_2, window_bounds = array<i64: 1000, 128>}, {transform_indices = @transform_3, window_bounds = array<i64: 2, 1000, 1>}, {pipeline_mode = #tpu.pipeline_mode<synchronous>, transform_indices = @transform_4, window_bounds = array<i64: 128, 128>}, {pipeline_mode = #tpu.pipeline_mode<synchronous>, transform_indices = @transform_5, window_bounds = array<i64: 128, 128>}, {pipeline_mode = #tpu.pipeline_mode<synchronous>, transform_indices = @transform_6, window_bounds = array<i64: 1, 128>}, {pipeline_mode = #tpu.pipeline_mode<synchronous>, transform_indices = @transform_7, window_bounds = array<i64: 128, 128>}, {pipeline_mode = #tpu.pipeline_mode<synchronous>, transform_indices = @transform_8, window_bounds = array<i64: 1, 128>}, {transform_indices = @transform_9, window_bounds = array<i64: 1000, 128>}]} {
    %get3A = arith.constant 0 : index
    %get3A_0 = arith.constant 0 : index
    %get3A_1 = arith.constant 0 : index
    %get3A_2 = vector.load %arg4[%get3A, %get3A_0, %get3A_1] : memref<2x1000x1xf32, #tpu.memory_space<vmem>>, vector<2x1000x1xf32>
    %reduce_sum3A = arith.constant dense<0.000000e+00> : vector<1000x1xf32>
    %reduce_sum3A_3 = vector.multi_reduction <add>, %get3A_2, %reduce_sum3A [0] : vector<2x1000x1xf32> to vector<1000x1xf32>
    %max3A = arith.constant 1.000000e+00 : f32
    %max3A_4 = vector.broadcast %max3A : f32 to vector<1000x1xf32>
    %max3A_5 = arith.maximumf %reduce_sum3A_3, %max3A_4 : vector<1000x1xf32>
    %get3A_6 = arith.constant 0 : index
    %get3A_7 = arith.constant 0 : index
    %get3A_8 = vector.load %arg2[%get3A_6, %get3A_7] : memref<1000x128xf32, #tpu.memory_space<vmem>>, vector<1000x128xf32>
    %get3A_9 = arith.constant 0 : index
    %get3A_10 = arith.constant 0 : index
    %get3A_11 = vector.load %arg3[%get3A_9, %get3A_10] : memref<1000x128xf32, #tpu.memory_space<vmem>>, vector<1000x128xf32>
    %add3A = arith.addf %get3A_8, %get3A_11 : vector<1000x128xf32>
    %div3A = vector.broadcast %max3A_5 : vector<1000x1xf32> to vector<1000x128xf32>
    %div3A_12 = arith.divf %add3A, %div3A : vector<1000x128xf32>
    %get3A_13 = arith.constant 0 : index
    %get3A_14 = arith.constant 0 : index
    %get3A_15 = vector.load %arg1[%get3A_13, %get3A_14] : memref<1000x128xf32, #tpu.memory_space<vmem>>, vector<1000x128xf32>
    %get3A_16 = arith.constant 0 : index
    %get3A_17 = arith.constant 0 : index
    %get3A_18 = vector.load %arg5[%get3A_16, %get3A_17] : memref<128x128xf32, #tpu.memory_space<vmem>>, vector<128x128xf32>
    %dot_general3A = arith.constant dense<0.000000e+00> : vector<1000x128xf32>
    %dot_general3A_19 = tpu.matmul %get3A_15, %get3A_18, %dot_general3A {dimension_numbers = #tpu.dot_dimension_numbers<[1], [0], [0], [1], [0, 0, 1, 1], [], []>, transpose_lhs_hint = false} : vector<1000x128xf32>, vector<128x128xf32>, vector<1000x128xf32> -> vector<1000x128xf32>
    %get3A_20 = arith.constant 0 : index
    %get3A_21 = arith.constant 0 : index
    %get3A_22 = vector.load %arg6[%get3A_20, %get3A_21] : memref<128x128xf32, #tpu.memory_space<vmem>>, vector<128x128xf32>
    %dot_general3A_23 = arith.constant dense<0.000000e+00> : vector<1000x128xf32>
    %dot_general3A_24 = tpu.matmul %div3A_12, %get3A_22, %dot_general3A_23 {dimension_numbers = #tpu.dot_dimension_numbers<[1], [0], [0], [1], [0, 0, 1, 1], [], []>, transpose_lhs_hint = false} : vector<1000x128xf32>, vector<128x128xf32>, vector<1000x128xf32> -> vector<1000x128xf32>
    %add3A_25 = arith.addf %dot_general3A_19, %dot_general3A_24 : vector<1000x128xf32>
    %get3A_26 = arith.constant 0 : index
    %get3A_27 = arith.constant 0 : index
    %get3A_28 = vector.load %arg7[%get3A_26, %get3A_27] : memref<1x128xf32, #tpu.memory_space<vmem>>, vector<1x128xf32>
    %add3A_29 = vector.broadcast %get3A_28 : vector<1x128xf32> to vector<1000x128xf32>
    %add3A_30 = arith.addf %add3A_25, %add3A_29 : vector<1000x128xf32>
    %max3A_31 = arith.constant 0.000000e+00 : f32
    %max3A_32 = vector.broadcast %max3A_31 : f32 to vector<1000x128xf32>
    %max3A_33 = arith.maximumf %add3A_30, %max3A_32 : vector<1000x128xf32>
    %get3A_34 = arith.constant 0 : index
    %get3A_35 = arith.constant 0 : index
    %get3A_36 = vector.load %arg8[%get3A_34, %get3A_35] : memref<128x128xf32, #tpu.memory_space<vmem>>, vector<128x128xf32>
    %dot_general3A_37 = arith.constant dense<0.000000e+00> : vector<1000x128xf32>
    %dot_general3A_38 = tpu.matmul %max3A_33, %get3A_36, %dot_general3A_37 {dimension_numbers = #tpu.dot_dimension_numbers<[1], [0], [0], [1], [0, 0, 1, 1], [], []>, transpose_lhs_hint = false} : vector<1000x128xf32>, vector<128x128xf32>, vector<1000x128xf32> -> vector<1000x128xf32>
    %get3A_39 = arith.constant 0 : index
    %get3A_40 = arith.constant 0 : index
    %get3A_41 = vector.load %arg9[%get3A_39, %get3A_40] : memref<1x128xf32, #tpu.memory_space<vmem>>, vector<1x128xf32>
    %add3A_42 = vector.broadcast %get3A_41 : vector<1x128xf32> to vector<1000x128xf32>
    %add3A_43 = arith.addf %dot_general3A_38, %add3A_42 : vector<1000x128xf32>
    %max3A_44 = arith.constant 0.000000e+00 : f32
    %max3A_45 = vector.broadcast %max3A_44 : f32 to vector<1000x128xf32>
    %max3A_46 = arith.maximumf %add3A_43, %max3A_45 : vector<1000x128xf32>
    %swap3A = arith.constant 0 : index
    %swap3A_47 = arith.constant 0 : index
    %swap3A_48 = vector.load %arg10[%swap3A, %swap3A_47] : memref<1000x128xf32, #tpu.memory_space<vmem>>, vector<1000x128xf32>
    tpu.vector_store %arg10[%swap3A, %swap3A_47], %max3A_46 {strides = array<i32>} : memref<1000x128xf32, #tpu.memory_space<vmem>>, vector<1000x128xf32>,
    return
  }
  func.func @transform_0(%arg0: i32) -> (i32, i32) {
    %c0_i32 = arith.constant 0 : i32
    %c0_i32_0 = arith.constant 0 : i32
    return %arg0, %c0_i32 : i32, i32
  }
  func.func @transform_1(%arg0: i32) -> (i32, i32) {
    %c0_i32 = arith.constant 0 : i32
    %c0_i32_0 = arith.constant 0 : i32
    return %arg0, %c0_i32 : i32, i32
  }
  func.func @transform_2(%arg0: i32) -> (i32, i32) {
    %c0_i32 = arith.constant 0 : i32
    %c0_i32_0 = arith.constant 0 : i32
    return %arg0, %c0_i32 : i32, i32
  }
  func.func @transform_3(%arg0: i32) -> (i32, i32, i32) {
    %c0_i32 = arith.constant 0 : i32
    %c0_i32_0 = arith.constant 0 : i32
    %c0_i32_1 = arith.constant 0 : i32
    return %c0_i32, %arg0, %c0_i32_0 : i32, i32, i32
  }
  func.func @transform_4(%arg0: i32) -> (i32, i32) {
    %c0_i32 = arith.constant 0 : i32
    %c0_i32_0 = arith.constant 0 : i32
    %c0_i32_1 = arith.constant 0 : i32
    return %c0_i32, %c0_i32_0 : i32, i32
  }
  func.func @transform_5(%arg0: i32) -> (i32, i32) {
    %c0_i32 = arith.constant 0 : i32
    %c0_i32_0 = arith.constant 0 : i32
    %c0_i32_1 = arith.constant 0 : i32
    return %c0_i32, %c0_i32_0 : i32, i32
  }
  func.func @transform_6(%arg0: i32) -> (i32, i32) {
    %c0_i32 = arith.constant 0 : i32
    %c0_i32_0 = arith.constant 0 : i32
    %c0_i32_1 = arith.constant 0 : i32
    return %c0_i32, %c0_i32_0 : i32, i32
  }
  func.func @transform_7(%arg0: i32) -> (i32, i32) {
    %c0_i32 = arith.constant 0 : i32
    %c0_i32_0 = arith.constant 0 : i32
    %c0_i32_1 = arith.constant 0 : i32
    return %c0_i32, %c0_i32_0 : i32, i32
  }
  func.func @transform_8(%arg0: i32) -> (i32, i32) {
    %c0_i32 = arith.constant 0 : i32
    %c0_i32_0 = arith.constant 0 : i32
    %c0_i32_1 = arith.constant 0 : i32
    return %c0_i32, %c0_i32_0 : i32, i32
  }
  func.func @transform_9(%arg0: i32) -> (i32, i32) {
    %c0_i32 = arith.constant 0 : i32
    %c0_i32_0 = arith.constant 0 : i32
    return %arg0, %c0_i32 : i32, i32
  }
}

</mosaic_0001>

<sc_bundles>
// kernel: sage_agg.4.cloned.1.call-start
scs
__scs_entry_jumppad:
0x0: {  	(pc) =	sbr.rel $0x88, $3  }
0x1: {  	(tag) =	ssettag $0x0;
	lr =	simm.s32 $0x1  }
0x2: {  	[smem:$0x3F97] =	sst lr;
	_ =	strace $0xD0000000  }
0x3: {  	_ = 	snop  }
0x4: {  	_ = 	snop  }
0x5: {  	_ = 	snop  }
0x6: {  	_ = 	snop  }
0x7: {  	_ = 	snop  }
__scs_overlays_trampoline_lowered:
0x8: {  	[smem:$0x3FA6] =	sst s0  }
0x9: {  	[smem:$0x3FA7] =	sst s1  }
0xa: {  	[smem:$0x3FA8] =	sst s2  }
0xb: {  	[smem:$0x3FA9] =	sst s3  }
0xc: {  	[smem:$0x3FAA] =	sst s4  }
0xd: {  	[smem:$0x3FAB] =	sst s5  }
0xe: {  	[smem:$0x3FAC] =	sst s6  }
0xf: {  	[smem:$0x3FAD] =	sst s7  }
0x10: {  	[smem:$0x3FAE] =	sst s8  }
0x11: {  	[smem:$0x3FAF] =	sst s9;
	s0 =	simm.s32 @!p0 $0x0  }
0x12: {  	s1 =	sld [smem:$0x3F95];
	s0 =	simm.s32 @p0 $0x1  }
0x13: {  	[smem:$0x3FB0] =	sst s0;
	s0 =	simm.s32 @!p1 $0x0  }
0x14: {  	s2 =	sld [smem:$0x3F94];
	s0 =	simm.s32 @p1 $0x1  }
0x15: {  	[smem:$0x3FB1] =	sst s0;
	s0 =	simm.s32 @!p2 $0x0  }
0x16: {  	s3 =	sld [smem:$0x3FDB];
	s0 =	simm.s32 @p2 $0x1  }
0x17: {  	s4 =	simm.s32 $0x1BF5;
	[smem:$0x3FB3] =	sst s0  }
0x18: {  	s0 =	sld [smem:$0x3F96];
	_ =	swait.ge [sflag:s4], $0x0  }
0x19: {  	s7 =	sld [smem:$0x3F97]  }
0x1a: {  	s8 =	sadd.s32 $0xFFFFE003, lr  }
0x1b: {  	s9 =	sadd.s32 $0xFFFFFEF7, lr;
	s5 =	simm.s32 $0xFFFFFFFF;
	p2 =	slt.u32 s8, $0xFFFFF086  }
0x1c: {  	p1 =	slt.u32 s9, $0xF7A;
	s5 =	simm.s32 @!p2 $0x0  }
0x1d: {  	s5 =	simm.s32 @p1 $0x1;
	p0 =	seq.s32 s7, s2  }
0x1e: {  	s7 =	smul.u32 @!p0 $0xF7A, s2;
	p2 =	seq.s32 @!p0 s5, $0x0  }
0x1f: {  	s9 =	smul.u32 $0xF7A, s1;
	s8 =	simm.s32 @!p0 $0x1BF5;
	p2 =	por !p2, p0  }
0x20: {  	[sflag:s8] =	ssyncset.s32 @!p0 $0xFFFFF086;
	s6 =	sadd.s32 @!p0 s3, s7;
	s7 =	simm.s32 @!p0 $0x108  }
0x21: {  	s3 =	sadd.s32 s3, s9;
	s6 =	sadd.s32 @!p0 $0x88, s6;
	s7 =	simm.s32 @p2 $0x1082  }
0x22: {  	[simem:s7], [sflag:s8] =	dma.local @!p0 [hbm:s6], $0xF7A  }
0x23: {  	s9 =	sor.u32 $0xD0000000, s2;
	s6 =	simm.s32 $0x108;
	_ =	swait.ge @!p0 [sflag:s8], $0x0  }
0x24: {  	s3 =	sadd.s32 $0x88, s3;
	s6 =	simm.s32 @!p1 $0x1082;
	[sflag:s4] =	ssyncset.s32 $0xFFFFF086  }
0x25: {  	[simem:s6], [sflag:s4] =	dma.local [hbm:s3], $0xF7A  }
0x26: {  	[smem:$0x3F97] =	sst s1;
	(tag) =	ssettag s2;
	_ =	strace s9  }
0x27: {  	s1 =	sld [smem:$0x3FA7]  }
0x28: {  	s2 =	sld [smem:$0x3FA8]  }
0x29: {  	s4 =	sld [smem:$0x3FAA]  }
0x2a: {  	p0 =	seq.s32 s5, $0x0;
	s5 =	sld [smem:$0x3FAB]  }
0x2b: {  	s6 =	sld [smem:$0x3FAC]  }
0x2c: {  	s7 =	sld [smem:$0x3FAD]  }
0x2d: {  	s3 =	simm.s32 $0x108;
	s8 =	sld [smem:$0x3FAE]  }
0x2e: {  	s3 =	simm.s32 @!p0 $0x1082;
	s9 =	sld [smem:$0x3FAF]  }
0x2f: {  	lr =	sadd.s32 s0, s3;
	s0 =	sld [smem:$0x3FA6]  }
0x30: {  	s3 =	sld [smem:$0x3FA9]  }
0x31: {  	[smem:$0x3FB2] =	sst s10  }
0x32: {  	s10 =	sld [smem:$0x3FB0];
	_ =	sdelay $0x3  }
0x33: {  	p0 =	seq.s32 s10, $0x1;
	s10 =	sld [smem:$0x3FB2];
	_ =	sdelay $0x3  }
0x34: {  	[smem:$0x3FB2] =	sst s10  }
0x35: {  	s10 =	sld [smem:$0x3FB1];
	_ =	sdelay $0x3  }
0x36: {  	p1 =	seq.s32 s10, $0x1;
	s10 =	sld [smem:$0x3FB2];
	_ =	sdelay $0x3  }
0x37: {  	[smem:$0x3FB2] =	sst s10  }
0x38: {  	s10 =	sld [smem:$0x3FB3]  }
0x39: {  	_ = 	snop;
	(pc) =	sbr.ind lr, $3  }
0x3a: {  	_ = 	snop  }
0x3b: {  	_ = 	snop  }
0x3c: {  	p2 =	seq.s32 s10, $0x1;
	s10 =	sld [smem:$0x3FB2]  }
0x3d: {  	_ =	shalt  }
0x3e: {  	_ =	shalt  }
0x3f: {  	_ =	shalt  }
0x40: {  	_ =	shalt  }
0x41: {  	_ =	shalt  }
0x42: {  	_ =	shalt  }
0x43: {  	_ =	shalt  }
0x44: {  	_ =	shalt  }
0x45: {  	_ =	shalt  }
0x46: {  	_ =	shalt  }
0x47: {  	_ =	shalt  }
0x48: {  	_ =	shalt  }
0x49: {  	_ =	shalt  }
0x4a: {  	_ =	shalt  }
0x4b: {  	_ =	shalt  }
0x4c: {  	_ =	shalt  }
0x4d: {  	_ =	shalt  }
0x4e: {  	_ =	shalt  }
0x4f: {  	_ =	shalt  }
0x50: {  	_ =	shalt  }
0x51: {  	_ =	shalt  }
0x52: {  	_ =	shalt  }
0x53: {  	_ =	shalt  }
0x54: {  	_ =	shalt  }
0x55: {  	_ =	shalt  }
0x56: {  	_ =	shalt  }
0x57: {  	_ =	shalt  }
0x58: {  	_ =	shalt  }
0x59: {  	_ =	shalt  }
0x5a: {  	_ =	shalt  }
0x5b: {  	_ =	shalt  }
0x5c: {  	_ =	shalt  }
0x5d: {  	_ =	shalt  }
0x5e: {  	_ =	shalt  }
0x5f: {  	_ =	shalt  }
0x60: {  	_ =	shalt  }
0x61: {  	_ =	shalt  }
0x62: {  	_ =	shalt  }
0x63: {  	_ =	shalt  }
0x64: {  	_ =	shalt  }
0x65: {  	_ =	shalt  }
0x66: {  	_ =	shalt  }
0x67: {  	_ =	shalt  }
0x68: {  	_ =	shalt  }
0x69: {  	_ =	shalt  }
0x6a: {  	_ =	shalt  }
0x6b: {  	_ =	shalt  }
0x6c: {  	_ =	shalt  }
0x6d: {  	_ =	shalt  }
0x6e: {  	_ =	shalt  }
0x6f: {  	_ =	shalt  }
0x70: {  	_ =	shalt  }
0x71: {  	_ =	shalt  }
0x72: {  	_ =	shalt  }
0x73: {  	_ =	shalt  }
0x74: {  	_ =	shalt  }
0x75: {  	_ =	shalt  }
0x76: {  	_ =	shalt  }
0x77: {  	_ =	shalt  }
0x78: {  	_ =	shalt  }
0x79: {  	_ =	shalt  }
0x7a: {  	_ =	shalt  }
0x7b: {  	_ =	shalt  }
0x7c: {  	_ =	shalt  }
0x7d: {  	_ =	shalt  }
0x7e: {  	_ =	shalt  }
0x7f: {  	_ =	shalt  }
0x80: {  	_ =	shalt  }
0x81: {  	_ =	shalt  }
0x82: {  	_ =	shalt  }
0x83: {  	_ =	shalt  }
0x84: {  	_ =	shalt  }
0x85: {  	_ =	shalt  }
0x86: {  	_ =	shalt  }
0x87: {  	_ =	shalt  }
.Lfunc_end0:
.L_simem_size_0:
called_computation.1_lowered:
.L_overlay_start_0:
0x88: {  	s2 =	sld [smem:$0x3FD9]  }
0x89: {  	s3 =	sld [smem:$0x3FFE];
	_ =	sdelay $0x1  }
0x8a: {  	s1 =	srdreg.scid  }
0x8b: {  	s0 =	sand.u32 $0x1, s1  }
0x8c: {  	s17 =	sshll.u32 s0, $0xA;
	s2 =	sadd.s32 s3, s2  }
0x8d: {  	s2 =	sadd.s32 s2, s17  }
0x8e: {  	[smem:$0x3FBE] =	sst s2  }
0x8f: {  	_ = 	snop  }
0x90: {  	s18 =	sld [smem:$0x3FC9];
	(tm) =	ssettm $0x1  }
0x91: {  	s19 =	sld [smem:$0x3FFB];
	_ =	sdelay $0x3  }
0x92: {  	_ =	strace s19  }
0x93: {  	s2 =	sld [smem:$0x3FFC];
	_ =	sdelay $0x3  }
0x94: {  	_ =	strace s2  }
0x95: {  	s2 =	sld [smem:$0x3FFD];
	_ =	sdelay $0x3  }
0x96: {  	_ =	strace s2  }
0x97: {  	_ =	strace $0x8FFFFFFF  }
0x98: {  	s20 =	sld [smem:$0x3FDB];
	_ =	sdelay $0x1  }
0x99: {  	s4 =	simm.s32 $_scs_section_size  }
0x9a: {  	s5 =	simm.s32 $_size__tile_overlayer_lowered;
	s6 =	simm.s32 $_tile_overlayer_lowered  }
0x9b: {  	s7 =	simm.s32 $0x1BFF;
	s21 =	sshll.u32 s6, $0x1;
	s4 =	sadd.s32 s4, s20  }
0x9c: {  	s22 =	simm.s32 $0x0;
	s5 =	sshll.u32 s5, $0x1;
	s6 =	sadd.s32 s21, s4  }
0x9d: {  	[timem:s22], [sflag:s7] =	dma.local [hbm:s6], s5  }
0x9e: {  	_ =	swait.ge [sflag:s7], s5  }
0x9f: {  	s5 =	ssub.s32 $0x0, s5;
	[sflag:s7] =	ssyncset.done $0x0  }
0xa0: {  	[sflag:s7] =	ssyncadd.s32 s5;
	_ =	sdelay $0x1  }
0xa1: {  	s23 =	simm.s32 $0x1B8B  }
0xa2: {  	_ =	swait.ge [sflag:s23], $0x1  }
0xa3: {  	[sflag:s23] =	ssyncset.done $0x0  }
0xa4: {  	[sflag:s23] =	ssyncadd.s32 $0xFFFFFFFF  }
0xa5: {  	s5 =	sld [smem:$0x0]  }
0xa6: {  	s6 =	sand.u32 $0xFFFFFFFE, s1  }
0xa7: {  	p0 =	sne.s32 s1, s6  }
0xa8: {  	s6 =	sshll.u32 @p0 s6, $0xE  }
0xa9: {  	s6 =	sadd.s32 @p0 $0x11B8D, s6;
	s7 =	sshll.u32 @p0 s5, $0x11  }
0xaa: {  	s6 =	sor.u32 @p0 s7, s6  }
0xab: {  	[sflag:s6] =	ssyncadd.remote.s32 @p0 $0x1;
	_ =	sdelay $0x1  }
0xac: {  	s6 =	simm.s32 @p0 $0x1B8D  }
0xad: {  	_ =	swait.eq @p0 [sflag:s6], $0x1  }
0xae: {  	[sflag:s6] =	ssyncadd.s32 @p0 $0xFFFFFFFF  }
0xaf: {  	s7 =	sshll.u32 @!p0 s1, $0xE  }
0xb0: {  	s7 =	sor.u32 @!p0 $0x4000, s7;
	s6 =	simm.s32 @!p0 $0x1B8D  }
0xb1: {  	s5 =	sshll.u32 @!p0 s5, $0x11;
	s7 =	sadd.s32 @!p0 $0x11B8D, s7;
	_ =	swait.eq @!p0 [sflag:s6], $0x1  }
0xb2: {  	s5 =	sor.u32 @!p0 s5, s7;
	[sflag:s6] =	ssyncadd.s32 @!p0 $0xFFFFFFFF  }
0xb3: {  	s25 =	simm.s32 $0x1B8E;
	s24 =	sld [smem:$0x3FFE];
	[sflag:s5] =	ssyncadd.remote.s32 @!p0 $0x1  }
0xb4: {  	s26 =	simm.s32 $execute0_lowered;
	[smem:$0x3FD2] =	sst s25  }
0xb5: {  	s6 =	sshll.u32 s26, $0x1;
	_ =	strace $0x80000049;
	[dreg:$0x1] =	wrdreg $0xFFFFFFFF  }
0xb6: {  	s28 =	simm.s32 $_size_execute0_lowered;
	s4 =	sadd.s32 s4, s6;
	[dreg:$0x0] =	wrdreg $0x0  }
0xb7: {  	s6 =	sshll.u32 s28, $0x1;
	[dreg:$0x2] =	wrdreg s4  }
0xb8: {  	[dreg:$0x3] =	wrdreg s6  }
0xb9: {  	[dreg:$0x4] =	wrdreg $0xC0  }
0xba: {  	_ =	task [dreg:s22], $0x5FFFF  }
0xbb: {  	[dreg:$0x1] =	wrdreg $0xFFFFFFFF  }
0xbc: {  	[dreg:$0x0] =	wrdreg $0x60  }
0xbd: {  	[dreg:$0x2] =	wrdreg s18  }
0xbe: {  	[dreg:$0x3] =	wrdreg s24  }
0xbf: {  	[dreg:$0x4] =	wrdreg $0xB7800  }
0xc0: {  	[dreg:$0x5] =	wrdreg $0xA  }
0xc1: {  	_ =	task.clear_ibuf [dreg:s22], $0x6FFFF;
	_ =	strace $0x90000049  }
0xc2: {  	s29 =	simm.s32 $0xA;
	_ =	strace $0x8000004B  }
0xc3: {  	_ =	swait.ge [sflag:s29], $0x1  }
0xc4: {  	[sflag:s29] =	ssyncadd.s32 $0xFFFFFFFF  }
0xc5: {  	_ =	strace $0x9000004B  }
0xc6: {  	_ =	sfence  }
0xc7: {  	s30 =	sld [smem:$0x0];
	_ =	sdelay $0x2  }
0xc8: {  	s31 =	sshll.u32 s1, $0xD;
	s1 =	sshrl.u32 s1, $0x2  }
0xc9: {  	s4 =	sand.u32 $0x4000, s31;
	s1 =	sadd.s32 s1, s30  }
0xca: {  	s0 =	sor.u32 s4, s0;
	s1 =	sshll.u32 s1, $0x11  }
0xcb: {  	s0 =	sor.u32 s1, s0  }
0xcc: {  	s0 =	sadd.s32 $0x8F2B, s0  }
0xcd: {  	[sflag:s0] =	ssyncadd.remote.s32 $0x1  }
0xce: {  	_ =	sfence.sel $0xFFFF  }
0xcf: {  	[dreg:$0x0] =	wrdreg $0xFFFFFFFF;
	(pc) =	sbr.abs _section_cstart, $3  }
0xd0: {  	[dreg:$0x1] =	wrdreg $0xFFFFFFFF  }
0xd1: {  	_ =	task.clear_ibuf [dreg:s22], $0x2FFFF;
	_ =	strace $0x9FFFFFFF  }
0xd2: {  	(tm) =	ssettm $0x7FFFFFFF  }
0xd3: {  	_ =	shalt  }
tec
execute0_lowered:
.L_overlay_start_1:
0x0: {  	(tag) =	ssettag $0x1  }
0x1: {  	s1 =	rddreg [dreg:$0x0]  }
0x2: {  	s0 =	srdreg.scid;
	s2 =	rddreg [dreg:$0x1]  }
0x3: {  	s9 =	stileid.u32;
	s3 =	rddreg [dreg:$0x2];
	s30 =	simm.s32 $0x50  }
0x4: {  	s31 =	simm.s32 $0x8F80;
	s0 =	sand.u32 $0x1, s0;
	s7 =	sshll.u32 s9, $0x7  }
0x5: {  	s16 =	smul.u32 $0x14000, s9;
	s4 =	sshll.u32 s0, $0x4;
	s7 =	sand.u32 $0x380, s7  }
0x6: {  	s21 =	smul.u32 $0x140000, s0;
	s0 =	ssub.s32 $0x2, s0;
	s5 =	sor.u32 s9, s4  }
0x7: {  	s4 =	simm.s32 $0x0;
	s24 =	sshrl.u32 s0, $0x1;
	s9 =	smul.u32 $0x50000, s9  }
0x8: {  	s15 =	sor.u32 $0x2800, s16;
	s29 =	sadd.s32 $0x5000, s16;
	s18 =	sadd.s32 $0x7800, s16  }
0x9: {  	s19 =	sadd.s32 $0xA000, s16;
	s22 =	sadd.s32 $0xC800, s16;
	s6 =	sshrl.u32 s5, $0x3  }
0xa: {  	[smem:$0x7FF] =	sst s4;
	s5 =	sshll.u32 s5, $0xB;
	s8 =	sadd.s32 s21, s16  }
0xb: {  	s0 =	ssub.s32 s0, s24;
	s10 =	sadd.s32 s15, s3;
	s11 =	sadd.s32 s29, s3  }
0xc: {  	s12 =	sadd.s32 s18, s3;
	s13 =	sadd.s32 s19, s3;
	s14 =	sadd.s32 s22, s3  }
0xd: {  	s17 =	sadd.s32 s21, s15;
	s24 =	sadd.s32 $0x11800, s16;
	s20 =	sadd.s32 s21, s18  }
0xe: {  	s19 =	sadd.s32 s21, s19;
	s6 =	smul.u32 $0x13C00, s6;
	_ =	strace $0x8000004A  }
0xf: {  	s23 =	sadd.s32 s5, s2;
	s8 =	sshrl.u32 s8, $0x3;
	s28 =	sshrl.u32 s9, $0x2  }
0x10: {  	s17 =	sshrl.u32 s17, $0x3;
	s5 =	sshrl.u32 s20, $0x3;
	s26 =	sadd.s32 $0x2400, s23  }
0x11: {  	s9 =	sadd.s32 s28, s3;
	s23 =	sadd.s32 $0xF000, s16;
	s16 =	sadd.s32 s24, s3  }
0x12: {  	s28 =	sadd.s32 s21, s24;
	s24 =	simm.s32 $0x6780;
	s6 =	sor.u32 s7, s6  }
0x13: {  	[dreg:$0x5] =	wrdreg s26;
	s15 =	sadd.s32 s23, s3;
	s6 =	sshrl.u32 s6, $0x3  }
0x14: {  	s26 =	sadd.s32 s21, s23;
	s6 =	sadd.s32 s6, s2;
	s2 =	sadd.s32 $0x1C200, s2  }
0x15: {  	s23 =	sshrl.u32 s28, $0x3;
	s25 =	sadd.s32 $0x12400, s6;
	s7 =	sadd.s32 s2, s8  }
0x16: {  	s8 =	smax.u32 s0, $0x1;
	s17 =	sadd.s32 s2, s17;
	s0 =	sadd.s32 s21, s29  }
0x17: {  	s6 =	sshrl.u32 s19, $0x3;
	s19 =	sadd.s32 s2, s5;
	s29 =	sshrl.u32 s26, $0x3  }
0x18: {  	s23 =	sadd.s32 s2, s23;
	[dreg:$0x4] =	wrdreg s25;
	s0 =	sshrl.u32 s0, $0x3  }
0x19: {  	s20 =	sadd.s32 s2, s6;
	s25 =	sadd.s32 s21, s22;
	s22 =	sadd.s32 s2, s29  }
0x1a: {  	s18 =	sadd.s32 s2, s0;
	s0 =	sshrl.u32 s25, $0x3;
	s25 =	simm.s32 $0x3  }
0x1b: {  	v0 =	vimm.f32 $0.0e+00;
	s21 =	sadd.s32 s2, s0;
	s2 =	simm.s32 $0x1;
	s0 =	simm.s32 $0x2  }
.LBB2_1:
0x1c: {  	s26 =	simm.s32 $0x0;
	s28 =	simm.s32 $0x200  }
.LBB2_2:
0x1d: {  	p0 =	sne.s32 s28, $0x9E00;
	[tilespmem:s26+$0x67F0] =	vst v0  }
0x1e: {  	[tilespmem:s26+$0x6780] =	vst v0  }
0x1f: {  	[tilespmem:s26+$0x6790] =	vst v0  }
.Ltmp0:
0x20: {  	[tilespmem:s26+$0x67A0] =	vst v0;
	(pc) =	sbr.rel @p0 .LBB2_2-.Ltmp0, $4  }
0x21: {  	[tilespmem:s26+$0x67B0] =	vst v0  }
0x22: {  	[tilespmem:s26+$0x67C0] =	vst v0  }
0x23: {  	[tilespmem:s26+$0x67D0] =	vst v0  }
0x24: {  	[tilespmem:s26+$0x67E0] =	vst v0;
	s26 =	sshra.s32 s28, $0x2;
	s28 =	sadd.s32 $0x200, s28  }
0x25: {  	[tilespmem:s26+$0x67F0] =	vst v0  }
0x26: {  	[tilespmem:s26+$0x6780] =	vst v0  }
0x27: {  	[tilespmem:s26+$0x6790] =	vst v0  }
0x28: {  	[tilespmem:s26+$0x67A0] =	vst v0  }
0x29: {  	[tilespmem:s26+$0x67B0] =	vst v0  }
0x2a: {  	[tilespmem:s26+$0x67C0] =	vst v0  }
0x2b: {  	[tilespmem:s26+$0x67D0] =	vst v0  }
0x2c: {  	[tilespmem:s26+$0x67E0] =	vst v0  }
0x2d: {  	[spmem:s9] =	stream.linear.scatter [tilespmem:s24], [sflag:$0x3], $0x2800, $0x38;
	[tilespmem:$0x1F780] =	vst v63  }
0x2e: {  	_ =	swait.ge [sflag:s25], $0x2800  }
0x2f: {  	[sflag:s25] =	ssyncset.done $0x0  }
0x30: {  	[sflag:s25] =	ssyncadd.s32 $0xFFFFD800  }
0x31: {  	[spmem:s10] =	stream.linear.scatter [tilespmem:s24], [sflag:$0x3], $0x2800, $0x38;
	[tilespmem:$0x1F780] =	vst v63  }
0x32: {  	_ =	swait.ge [sflag:s25], $0x2800  }
0x33: {  	[sflag:s25] =	ssyncset.done $0x0  }
0x34: {  	[sflag:s25] =	ssyncadd.s32 $0xFFFFD800  }
0x35: {  	[spmem:s11] =	stream.linear.scatter [tilespmem:s24], [sflag:$0x3], $0x2800, $0x38;
	[tilespmem:$0x1F780] =	vst v63  }
0x36: {  	_ =	swait.ge [sflag:s25], $0x2800  }
0x37: {  	[sflag:s25] =	ssyncset.done $0x0  }
0x38: {  	[sflag:s25] =	ssyncadd.s32 $0xFFFFD800  }
0x39: {  	[spmem:s12] =	stream.linear.scatter [tilespmem:s24], [sflag:$0x3], $0x2800, $0x38;
	[tilespmem:$0x1F780] =	vst v63  }
0x3a: {  	_ =	swait.ge [sflag:s25], $0x2800  }
0x3b: {  	[sflag:s25] =	ssyncset.done $0x0  }
0x3c: {  	[sflag:s25] =	ssyncadd.s32 $0xFFFFD800  }
0x3d: {  	[spmem:s13] =	stream.linear.scatter [tilespmem:s24], [sflag:$0x3], $0x2800, $0x38;
	[tilespmem:$0x1F780] =	vst v63  }
0x3e: {  	_ =	swait.ge [sflag:s25], $0x2800  }
0x3f: {  	[sflag:s25] =	ssyncset.done $0x0  }
0x40: {  	[sflag:s25] =	ssyncadd.s32 $0xFFFFD800  }
0x41: {  	[spmem:s14] =	stream.linear.scatter [tilespmem:s24], [sflag:$0x3], $0x2800, $0x38;
	[tilespmem:$0x1F780] =	vst v63  }
0x42: {  	_ =	swait.ge [sflag:s25], $0x2800  }
0x43: {  	[sflag:s25] =	ssyncset.done $0x0  }
0x44: {  	[sflag:s25] =	ssyncadd.s32 $0xFFFFD800  }
0x45: {  	[spmem:s15] =	stream.linear.scatter [tilespmem:s24], [sflag:$0x3], $0x2800, $0x38;
	[tilespmem:$0x1F780] =	vst v63  }
0x46: {  	_ =	swait.ge [sflag:s25], $0x2800  }
0x47: {  	[sflag:s25] =	ssyncset.done $0x0  }
0x48: {  	[sflag:s25] =	ssyncadd.s32 $0xFFFFD800  }
0x49: {  	[spmem:s16] =	stream.linear.scatter [tilespmem:s24], [sflag:$0x3], $0x2800, $0x38;
	[tilespmem:$0x1F780] =	vst v63  }
0x4a: {  	_ =	swait.ge [sflag:s25], $0x2800  }
0x4b: {  	s26 =	simm.s32 $0x0;
	s6 =	simm.s32 $0x80;
	[sflag:s25] =	ssyncset.done $0x0  }
0x4c: {  	s28 =	simm.s32 $0x400;
	s5 =	rddreg [dreg:$0x4];
	[sflag:s25] =	ssyncadd.s32 $0xFFFFD800  }
0x4d: {  	[tilespmem:s26], [sflag:$0x3] =	stream.strided.gather [hbm4b:s5+s6], $0x2780, s28, s6, $0x38;
	[tilespmem:$0x1F780] =	vst v63  }
0x4e: {  	_ =	swait.ge [sflag:s25], $0x2780  }
0x4f: {  	[sflag:s25] =	ssyncset.done $0x0  }
0x50: {  	s6 =	simm.s32 $0x2780;
	s5 =	rddreg [dreg:$0x5];
	[sflag:s25] =	ssyncadd.s32 $0xFFFFD880  }
0x51: {  	[tilespmem:s6], [sflag:$0x3] =	stream.linear.gather [hbm4b:s5+s26], $0x3E80, $0x38;
	[tilespmem:$0x1F780] =	vst v63  }
0x52: {  	_ =	swait.ge [sflag:s25], $0x3E80  }
0x53: {  	[sflag:s25] =	ssyncset.done $0x0  }
0x54: {  	[sflag:s25] =	ssyncadd.s32 $0xFFFFC180  }
0x55: {  	[bflag:$0x0] =	sbarrier.arrive $0xFFFF  }
0x56: {  	[tilespmem:s24], [sflag:$0x1] =	stream.indirect.gather [hbm4b:s1+s30], $0x80, s26, s30, $0xb8;
	[tilespmem:$0x1F780] =	vst v63  }
0x57: {  	s5 =	simm.s32 $0x50  }
0x58: {  	[tilespmem:s31], [sflag:$0x2] =	stream.indirect.gather [hbm4b:s1+s30], $0x80, s5, s30, $0xb8;
	[tilespmem:$0x1F780] =	vst v63  }
0x59: {  	_ =	swait.ge [sflag:s2], $0x2800  }
0x5a: {  	[sflag:s2] =	ssyncset.done $0x0  }
0x5b: {  	s6 =	simm.s32 $0x2780;
	[sflag:s2] =	ssyncadd.s32 $0xFFFFD800  }
0x5c: {  	[spmem:s3] =	stream.indirect.scatter.add.f32 [tilespmem:s24], [sflag:$0x3], $0x80, s6, s30, $0xb8;
	[tilespmem:$0x1F780] =	vst v63  }
0x5d: {  	_ =	swait.ge [sflag:s25], $0x2800  }
0x5e: {  	[sflag:s25] =	ssyncset.done $0x0  }
0x5f: {  	s5 =	simm.s32 $0xA0;
	[sflag:s25] =	ssyncadd.s32 $0xFFFFD800  }
0x60: {  	[tilespmem:s24], [sflag:$0x1] =	stream.indirect.gather [hbm4b:s1+s30], $0x80, s5, s30, $0xb8;
	[tilespmem:$0x1F780] =	vst v63  }
0x61: {  	_ =	swait.ge [sflag:s0], $0x2800  }
0x62: {  	[sflag:s0] =	ssyncset.done $0x0  }
0x63: {  	s6 =	simm.s32 $0x2800;
	[sflag:s0] =	ssyncadd.s32 $0xFFFFD800  }
0x64: {  	[spmem:s3] =	stream.indirect.scatter.add.f32 [tilespmem:s31], [sflag:$0x3], $0x80, s6, s30, $0xb8;
	[tilespmem:$0x1F780] =	vst v63  }
0x65: {  	s29 =	simm.s32 $0x400;
	_ =	swait.ge [sflag:s25], $0x2800  }
0x66: {  	s28 =	simm.s32 $0x140;
	s26 =	simm.s32 $0x800;
	[sflag:s25] =	ssyncset.done $0x0  }
.LBB2_4:
0x67: {  	p0 =	sne.s32 s26, $0xF400;
	s5 =	sadd.s32 $0xFFFFFFB0, s28;
	[sflag:s25] =	ssyncadd.s32 $0xFFFFD800  }
0x68: {  	[tilespmem:s31], [sflag:$0x2] =	stream.indirect.gather [hbm4b:s1+s30], $0x80, s5, s30, $0xb8;
	[tilespmem:$0x1F780] =	vst v63  }
0x69: {  	s5 =	smov.u32 s26;
	s26 =	sadd.s32 $0x400, s26;
	_ =	swait.ge [sflag:s2], $0x2800  }
0x6a: {  	s6 =	sshra.s32 s29, $0x2;
	s29 =	smov.u32 s5;
	[sflag:s2] =	ssyncset.done $0x0  }
0x6b: {  	s5 =	sadd.s32 $0x2780, s6;
	[sflag:s2] =	ssyncadd.s32 $0xFFFFD800  }
0x6c: {  	[spmem:s3] =	stream.indirect.scatter.add.f32 [tilespmem:s24], [sflag:$0x3], $0x80, s5, s30, $0xb8;
	[tilespmem:$0x1F780] =	vst v63  }
0x6d: {  	_ =	swait.ge [sflag:s25], $0x2800  }
0x6e: {  	[sflag:s25] =	ssyncset.done $0x0  }
0x6f: {  	[sflag:s25] =	ssyncadd.s32 $0xFFFFD800  }
0x70: {  	[tilespmem:s24], [sflag:$0x1] =	stream.indirect.gather [hbm4b:s1+s30], $0x80, s28, s30, $0xb8;
	[tilespmem:$0x1F780] =	vst v63  }
0x71: {  	_ =	swait.ge [sflag:s0], $0x2800  }
.Ltmp1:
0x72: {  	[sflag:s0] =	ssyncset.done $0x0;
	(pc) =	sbr.rel @p0 .LBB2_4-.Ltmp1, $4  }
0x73: {  	s5 =	sadd.s32 $0x2800, s6;
	[sflag:s0] =	ssyncadd.s32 $0xFFFFD800  }
0x74: {  	[spmem:s3] =	stream.indirect.scatter.add.f32 [tilespmem:s31], [sflag:$0x3], $0x80, s5, s30, $0xb8;
	[tilespmem:$0x1F780] =	vst v63  }
0x75: {  	_ =	swait.ge [sflag:s25], $0x2800  }
0x76: {  	s28 =	sadd.s32 $0xA0, s28;
	[sflag:s25] =	ssyncset.done $0x0  }
0x77: {  	s5 =	sadd.s32 $0xFFFFFFB0, s28;
	[sflag:s25] =	ssyncadd.s32 $0xFFFFD800  }
0x78: {  	[tilespmem:s31], [sflag:$0x2] =	stream.indirect.gather [hbm4b:s1+s30], $0x80, s5, s30, $0xb8;
	[tilespmem:$0x1F780] =	vst v63  }
0x79: {  	_ =	swait.ge [sflag:s2], $0x2800  }
0x7a: {  	s29 =	sshra.s32 s29, $0x2;
	[sflag:s2] =	ssyncset.done $0x0  }
0x7b: {  	s6 =	sadd.s32 $0x2780, s29;
	[sflag:s2] =	ssyncadd.s32 $0xFFFFD800  }
0x7c: {  	[spmem:s3] =	stream.indirect.scatter.add.f32 [tilespmem:s24], [sflag:$0x3], $0x80, s6, s30, $0xb8;
	[tilespmem:$0x1F780] =	vst v63  }
0x7d: {  	_ =	swait.ge [sflag:s25], $0x2800  }
0x7e: {  	[sflag:s25] =	ssyncset.done $0x0  }
0x7f: {  	[sflag:s25] =	ssyncadd.s32 $0xFFFFD800  }
0x80: {  	[tilespmem:s24], [sflag:$0x1] =	stream.indirect.gather [hbm4b:s1+s30], $0x80, s28, s30, $0xb8;
	[tilespmem:$0x1F780] =	vst v63  }
0x81: {  	_ =	swait.ge [sflag:s0], $0x2800  }
0x82: {  	[sflag:s0] =	ssyncset.done $0x0  }
0x83: {  	s5 =	sadd.s32 $0x2800, s29;
	[sflag:s0] =	ssyncadd.s32 $0xFFFFD800  }
0x84: {  	[spmem:s3] =	stream.indirect.scatter.add.f32 [tilespmem:s31], [sflag:$0x3], $0x80, s5, s30, $0xb8;
	[tilespmem:$0x1F780] =	vst v63  }
0x85: {  	_ =	swait.ge [sflag:s25], $0x2800  }
0x86: {  	[sflag:s25] =	ssyncset.done $0x0  }
0x87: {  	[sflag:s25] =	ssyncadd.s32 $0xFFFFD800  }
0x88: {  	_ =	swait.ge [sflag:s2], $0x2800  }
0x89: {  	[sflag:s2] =	ssyncset.done $0x0  }
0x8a: {  	s6 =	simm.s32 $0x6580;
	[sflag:s2] =	ssyncadd.s32 $0xFFFFD800  }
0x8b: {  	[spmem:s3] =	stream.indirect.scatter.add.f32 [tilespmem:s24], [sflag:$0x3], $0x80, s6, s30, $0xb8;
	[tilespmem:$0x1F780] =	vst v63  }
0x8c: {  	_ =	swait.ge [sflag:s25], $0x2800  }
0x8d: {  	s26 =	stileid.u32;
	[sflag:s25] =	ssyncset.done $0x0  }
0x8e: {  	s5 =	sshll.u32 s26, $0x6;
	[sflag:s25] =	ssyncadd.s32 $0xFFFFD800  }
0x8f: {  	s28 =	sshrl.u32 s9, $0x3;
	s5 =	sor.u32 $0x1C03, s5;
	[bflag:$0x0] =	sbarrier.arrive $0xFFFF  }
0x90: {  	[hbm:s7], [sflag:s5] =	dma.local [spmem:s28], $0x500  }
0x91: {  	_ =	swait.ge [sflag:s25], $0x500  }
0x92: {  	[sflag:s25] =	ssyncset.done $0x0  }
0x93: {  	s29 =	sshrl.u32 s10, $0x3;
	[sflag:s25] =	ssyncadd.s32 $0xFFFFFB00  }
0x94: {  	[hbm:s17], [sflag:s5] =	dma.local [spmem:s29], $0x500  }
0x95: {  	_ =	swait.ge [sflag:s25], $0x500  }
0x96: {  	[sflag:s25] =	ssyncset.done $0x0  }
0x97: {  	s26 =	sshrl.u32 s11, $0x3;
	[sflag:s25] =	ssyncadd.s32 $0xFFFFFB00  }
0x98: {  	[hbm:s18], [sflag:s5] =	dma.local [spmem:s26], $0x500  }
0x99: {  	_ =	swait.ge [sflag:s25], $0x500  }
0x9a: {  	[sflag:s25] =	ssyncset.done $0x0  }
0x9b: {  	s28 =	sshrl.u32 s12, $0x3;
	[sflag:s25] =	ssyncadd.s32 $0xFFFFFB00  }
0x9c: {  	[hbm:s19], [sflag:s5] =	dma.local [spmem:s28], $0x500  }
0x9d: {  	_ =	swait.ge [sflag:s25], $0x500  }
0x9e: {  	[sflag:s25] =	ssyncset.done $0x0  }
0x9f: {  	s29 =	sshrl.u32 s13, $0x3;
	[sflag:s25] =	ssyncadd.s32 $0xFFFFFB00  }
0xa0: {  	[hbm:s20], [sflag:s5] =	dma.local [spmem:s29], $0x500  }
0xa1: {  	_ =	swait.ge [sflag:s25], $0x500  }
0xa2: {  	[sflag:s25] =	ssyncset.done $0x0  }
0xa3: {  	s26 =	sshrl.u32 s14, $0x3;
	[sflag:s25] =	ssyncadd.s32 $0xFFFFFB00  }
0xa4: {  	[hbm:s21], [sflag:s5] =	dma.local [spmem:s26], $0x500  }
0xa5: {  	_ =	swait.ge [sflag:s25], $0x500  }
0xa6: {  	[sflag:s25] =	ssyncset.done $0x0  }
0xa7: {  	s28 =	sshrl.u32 s15, $0x3;
	[sflag:s25] =	ssyncadd.s32 $0xFFFFFB00  }
0xa8: {  	[hbm:s22], [sflag:s5] =	dma.local [spmem:s28], $0x500  }
0xa9: {  	s4 =	sadd.s32 $0x1, s4;
	_ =	swait.ge [sflag:s25], $0x500  }
0xaa: {  	p0 =	sne.s32 s4, s8;
	[sflag:s25] =	ssyncset.done $0x0  }
.Ltmp2:
0xab: {  	s29 =	sshrl.u32 s16, $0x3;
	[sflag:s25] =	ssyncadd.s32 $0xFFFFFB00;
	(pc) =	sbr.rel @p0 .LBB2_1-.Ltmp2, $4  }
0xac: {  	[hbm:s23], [sflag:s5] =	dma.local [spmem:s29], $0x500  }
0xad: {  	_ =	swait.ge [sflag:s25], $0x500  }
0xae: {  	[sflag:s25] =	ssyncset.done $0x0  }
0xaf: {  	[sflag:s25] =	ssyncadd.s32 $0xFFFFFB00  }
0xb0: {  	_ =	sfence.sel $0x180000  }
0xb1: {  	[bflag:$0x0] =	sbarrier.arrive $0xFFFF  }
0xb2: {  	_ =	strace $0x9000004A  }
0xb3: {  	s0 =	stileid.u32;
	[bflag:$0x2] =	sbarrier.arrive $0xFFFF  }
0xb4: {  	p0 =	sne.s32 s0, $0x0;
	s0 =	rddreg [dreg:$0x3]  }
0xb5: {  	s0 =	sadd.s32 @!p0 $0x100000, s0  }
0xb6: {  	[sflag:s0] =	ssyncadd.tile.s32 @!p0 $0x1;
	_ =	shalt  }
.Lfunc_end2:
_tile_overlayer_lowered:
.L_overlay_start_2:
0xb7: {  	(tag) =	ssettag $0x2  }
0xb8: {  	s0 =	rddreg [dreg:$0x0];
	s2 =	stileid.u32  }
0xb9: {  	s1 =	rddreg [dreg:$0x1];
	p0 =	sne.s32 s2, $0x0  }
0xba: {  	s3 =	rddreg [dreg:$0x2];
	[bflag:$0x3] =	sbarrier.arrive $0xFFFF;
	s2 =	simm.s32 @!p0 $0x1C03  }
0xbb: {  	[timem:s3], [sflag:s2] =	dma.local @!p0 [hbm:s0], s1  }
0xbc: {  	s0 =	simm.s32 @!p0 $0x3  }
0xbd: {  	_ =	swait.ge @!p0 [sflag:s0], s1  }
0xbe: {  	s1 =	ssub.s32 @!p0 $0x0, s1;
	[sflag:s0] =	ssyncset.done @!p0 $0x0  }
0xbf: {  	[sflag:s0] =	ssyncadd.s32 @!p0 s1  }
0xc0: {  	[bflag:$0x3] =	sbarrier.arrive $0xFFFF  }
0xc1: {  	_ =	shalt  }

// kernel: sage_agg.7.cloned.1.call-start
scs
__scs_entry_jumppad:
0x0: {  	(pc) =	sbr.rel $0x88, $3  }
0x1: {  	(tag) =	ssettag $0x0;
	lr =	simm.s32 $0x1  }
0x2: {  	[smem:$0x3F97] =	sst lr;
	_ =	strace $0xD0000000  }
0x3: {  	_ = 	snop  }
0x4: {  	_ = 	snop  }
0x5: {  	_ = 	snop  }
0x6: {  	_ = 	snop  }
0x7: {  	_ = 	snop  }
__scs_overlays_trampoline_lowered:
0x8: {  	[smem:$0x3FA6] =	sst s0  }
0x9: {  	[smem:$0x3FA7] =	sst s1  }
0xa: {  	[smem:$0x3FA8] =	sst s2  }
0xb: {  	[smem:$0x3FA9] =	sst s3  }
0xc: {  	[smem:$0x3FAA] =	sst s4  }
0xd: {  	[smem:$0x3FAB] =	sst s5  }
0xe: {  	[smem:$0x3FAC] =	sst s6  }
0xf: {  	[smem:$0x3FAD] =	sst s7  }
0x10: {  	[smem:$0x3FAE] =	sst s8  }
0x11: {  	[smem:$0x3FAF] =	sst s9;
	s0 =	simm.s32 @!p0 $0x0  }
0x12: {  	s1 =	sld [smem:$0x3F95];
	s0 =	simm.s32 @p0 $0x1  }
0x13: {  	[smem:$0x3FB0] =	sst s0;
	s0 =	simm.s32 @!p1 $0x0  }
0x14: {  	s2 =	sld [smem:$0x3F94];
	s0 =	simm.s32 @p1 $0x1  }
0x15: {  	[smem:$0x3FB1] =	sst s0;
	s0 =	simm.s32 @!p2 $0x0  }
0x16: {  	s3 =	sld [smem:$0x3FDB];
	s0 =	simm.s32 @p2 $0x1  }
0x17: {  	s4 =	simm.s32 $0x1BF5;
	[smem:$0x3FB3] =	sst s0  }
0x18: {  	s0 =	sld [smem:$0x3F96];
	_ =	swait.ge [sflag:s4], $0x0  }
0x19: {  	s7 =	sld [smem:$0x3F97]  }
0x1a: {  	s8 =	sadd.s32 $0xFFFFE003, lr  }
0x1b: {  	s9 =	sadd.s32 $0xFFFFFEF7, lr;
	s5 =	simm.s32 $0xFFFFFFFF;
	p2 =	slt.u32 s8, $0xFFFFF086  }
0x1c: {  	p1 =	slt.u32 s9, $0xF7A;
	s5 =	simm.s32 @!p2 $0x0  }
0x1d: {  	s5 =	simm.s32 @p1 $0x1;
	p0 =	seq.s32 s7, s2  }
0x1e: {  	s7 =	smul.u32 @!p0 $0xF7A, s2;
	p2 =	seq.s32 @!p0 s5, $0x0  }
0x1f: {  	s9 =	smul.u32 $0xF7A, s1;
	s8 =	simm.s32 @!p0 $0x1BF5;
	p2 =	por !p2, p0  }
0x20: {  	[sflag:s8] =	ssyncset.s32 @!p0 $0xFFFFF086;
	s6 =	sadd.s32 @!p0 s3, s7;
	s7 =	simm.s32 @!p0 $0x108  }
0x21: {  	s3 =	sadd.s32 s3, s9;
	s6 =	sadd.s32 @!p0 $0x88, s6;
	s7 =	simm.s32 @p2 $0x1082  }
0x22: {  	[simem:s7], [sflag:s8] =	dma.local @!p0 [hbm:s6], $0xF7A  }
0x23: {  	s9 =	sor.u32 $0xD0000000, s2;
	s6 =	simm.s32 $0x108;
	_ =	swait.ge @!p0 [sflag:s8], $0x0  }
0x24: {  	s3 =	sadd.s32 $0x88, s3;
	s6 =	simm.s32 @!p1 $0x1082;
	[sflag:s4] =	ssyncset.s32 $0xFFFFF086  }
0x25: {  	[simem:s6], [sflag:s4] =	dma.local [hbm:s3], $0xF7A  }
0x26: {  	[smem:$0x3F97] =	sst s1;
	(tag) =	ssettag s2;
	_ =	strace s9  }
0x27: {  	s1 =	sld [smem:$0x3FA7]  }
0x28: {  	s2 =	sld [smem:$0x3FA8]  }
0x29: {  	s4 =	sld [smem:$0x3FAA]  }
0x2a: {  	p0 =	seq.s32 s5, $0x0;
	s5 =	sld [smem:$0x3FAB]  }
0x2b: {  	s6 =	sld [smem:$0x3FAC]  }
0x2c: {  	s7 =	sld [smem:$0x3FAD]  }
0x2d: {  	s3 =	simm.s32 $0x108;
	s8 =	sld [smem:$0x3FAE]  }
0x2e: {  	s3 =	simm.s32 @!p0 $0x1082;
	s9 =	sld [smem:$0x3FAF]  }
0x2f: {  	lr =	sadd.s32 s0, s3;
	s0 =	sld [smem:$0x3FA6]  }
0x30: {  	s3 =	sld [smem:$0x3FA9]  }
0x31: {  	[smem:$0x3FB2] =	sst s10  }
0x32: {  	s10 =	sld [smem:$0x3FB0];
	_ =	sdelay $0x3  }
0x33: {  	p0 =	seq.s32 s10, $0x1;
	s10 =	sld [smem:$0x3FB2];
	_ =	sdelay $0x3  }
0x34: {  	[smem:$0x3FB2] =	sst s10  }
0x35: {  	s10 =	sld [smem:$0x3FB1];
	_ =	sdelay $0x3  }
0x36: {  	p1 =	seq.s32 s10, $0x1;
	s10 =	sld [smem:$0x3FB2];
	_ =	sdelay $0x3  }
0x37: {  	[smem:$0x3FB2] =	sst s10  }
0x38: {  	s10 =	sld [smem:$0x3FB3]  }
0x39: {  	_ = 	snop;
	(pc) =	sbr.ind lr, $3  }
0x3a: {  	_ = 	snop  }
0x3b: {  	_ = 	snop  }
0x3c: {  	p2 =	seq.s32 s10, $0x1;
	s10 =	sld [smem:$0x3FB2]  }
0x3d: {  	_ =	shalt  }
0x3e: {  	_ =	shalt  }
0x3f: {  	_ =	shalt  }
0x40: {  	_ =	shalt  }
0x41: {  	_ =	shalt  }
0x42: {  	_ =	shalt  }
0x43: {  	_ =	shalt  }
0x44: {  	_ =	shalt  }
0x45: {  	_ =	shalt  }
0x46: {  	_ =	shalt  }
0x47: {  	_ =	shalt  }
0x48: {  	_ =	shalt  }
0x49: {  	_ =	shalt  }
0x4a: {  	_ =	shalt  }
0x4b: {  	_ =	shalt  }
0x4c: {  	_ =	shalt  }
0x4d: {  	_ =	shalt  }
0x4e: {  	_ =	shalt  }
0x4f: {  	_ =	shalt  }
0x50: {  	_ =	shalt  }
0x51: {  	_ =	shalt  }
0x52: {  	_ =	shalt  }
0x53: {  	_ =	shalt  }
0x54: {  	_ =	shalt  }
0x55: {  	_ =	shalt  }
0x56: {  	_ =	shalt  }
0x57: {  	_ =	shalt  }
0x58: {  	_ =	shalt  }
0x59: {  	_ =	shalt  }
0x5a: {  	_ =	shalt  }
0x5b: {  	_ =	shalt  }
0x5c: {  	_ =	shalt  }
0x5d: {  	_ =	shalt  }
0x5e: {  	_ =	shalt  }
0x5f: {  	_ =	shalt  }
0x60: {  	_ =	shalt  }
0x61: {  	_ =	shalt  }
0x62: {  	_ =	shalt  }
0x63: {  	_ =	shalt  }
0x64: {  	_ =	shalt  }
0x65: {  	_ =	shalt  }
0x66: {  	_ =	shalt  }
0x67: {  	_ =	shalt  }
0x68: {  	_ =	shalt  }
0x69: {  	_ =	shalt  }
0x6a: {  	_ =	shalt  }
0x6b: {  	_ =	shalt  }
0x6c: {  	_ =	shalt  }
0x6d: {  	_ =	shalt  }
0x6e: {  	_ =	shalt  }
0x6f: {  	_ =	shalt  }
0x70: {  	_ =	shalt  }
0x71: {  	_ =	shalt  }
0x72: {  	_ =	shalt  }
0x73: {  	_ =	shalt  }
0x74: {  	_ =	shalt  }
0x75: {  	_ =	shalt  }
0x76: {  	_ =	shalt  }
0x77: {  	_ =	shalt  }
0x78: {  	_ =	shalt  }
0x79: {  	_ =	shalt  }
0x7a: {  	_ =	shalt  }
0x7b: {  	_ =	shalt  }
0x7c: {  	_ =	shalt  }
0x7d: {  	_ =	shalt  }
0x7e: {  	_ =	shalt  }
0x7f: {  	_ =	shalt  }
0x80: {  	_ =	shalt  }
0x81: {  	_ =	shalt  }
0x82: {  	_ =	shalt  }
0x83: {  	_ =	shalt  }
0x84: {  	_ =	shalt  }
0x85: {  	_ =	shalt  }
0x86: {  	_ =	shalt  }
0x87: {  	_ =	shalt  }
.Lfunc_end0:
.L_simem_size_0:
called_computation.2_lowered:
.L_overlay_start_0:
0x88: {  	s2 =	sld [smem:$0x3FD9]  }
0x89: {  	s3 =	sld [smem:$0x3FFE];
	_ =	sdelay $0x1  }
0x8a: {  	s1 =	srdreg.scid  }
0x8b: {  	s0 =	sand.u32 $0x1, s1  }
0x8c: {  	s17 =	sshll.u32 s0, $0xA;
	s2 =	sadd.s32 s3, s2  }
0x8d: {  	s2 =	sadd.s32 s2, s17  }
0x8e: {  	[smem:$0x3FBE] =	sst s2  }
0x8f: {  	_ = 	snop  }
0x90: {  	s2 =	sld [smem:$0x3FD0];
	(tm) =	ssettm $0x1  }
0x91: {  	s18 =	sld [smem:$0x3FFB];
	_ =	sdelay $0x3  }
0x92: {  	_ =	strace s18  }
0x93: {  	s3 =	sld [smem:$0x3FFC];
	_ =	sdelay $0x3  }
0x94: {  	_ =	strace s3  }
0x95: {  	s3 =	sld [smem:$0x3FFD];
	_ =	sdelay $0x3  }
0x96: {  	_ =	strace s3  }
0x97: {  	_ =	strace $0x8FFFFFFF  }
0x98: {  	s19 =	sld [smem:$0x3FDB];
	_ =	sdelay $0x1  }
0x99: {  	s4 =	simm.s32 $_scs_section_size  }
0x9a: {  	s5 =	simm.s32 $_size__tile_overlayer_lowered;
	s6 =	simm.s32 $_tile_overlayer_lowered  }
0x9b: {  	s22 =	simm.s32 $0x1BFF;
	s21 =	sshll.u32 s6, $0x1;
	s3 =	sadd.s32 s4, s19  }
0x9c: {  	s7 =	simm.s32 $0x0;
	s20 =	sshll.u32 s5, $0x1;
	s5 =	sadd.s32 s21, s3  }
0x9d: {  	[timem:s7], [sflag:s22] =	dma.local [hbm:s5], s20  }
0x9e: {  	_ =	swait.ge [sflag:s22], s20  }
0x9f: {  	s4 =	ssub.s32 $0x0, s20;
	[sflag:s22] =	ssyncset.done $0x0  }
0xa0: {  	[sflag:s22] =	ssyncadd.s32 s4;
	_ =	sdelay $0x1  }
0xa1: {  	s23 =	simm.s32 $0x1B8B  }
0xa2: {  	_ =	swait.ge [sflag:s23], $0x1  }
0xa3: {  	[sflag:s23] =	ssyncset.done $0x0  }
0xa4: {  	s25 =	simm.s32 $0x1B8E;
	s24 =	sld [smem:$0x3FFE];
	[sflag:s23] =	ssyncadd.s32 $0xFFFFFFFF  }
0xa5: {  	s26 =	simm.s32 $execute0_lowered;
	[smem:$0x3FD2] =	sst s25  }
0xa6: {  	s5 =	sshll.u32 s26, $0x1;
	_ =	strace $0x8000004C;
	[dreg:$0x1] =	wrdreg $0xFFFFFFFF  }
0xa7: {  	s28 =	simm.s32 $_size_execute0_lowered;
	s3 =	sadd.s32 s3, s5;
	[dreg:$0x0] =	wrdreg $0x0  }
0xa8: {  	s5 =	sshll.u32 s28, $0x1;
	[dreg:$0x2] =	wrdreg s3  }
0xa9: {  	[dreg:$0x3] =	wrdreg s5  }
0xaa: {  	[dreg:$0x4] =	wrdreg $0xC0  }
0xab: {  	_ =	task [dreg:s7], $0x5FFFF  }
0xac: {  	[dreg:$0x1] =	wrdreg $0xFFFFFFFF  }
0xad: {  	[dreg:$0x0] =	wrdreg $0x60  }
0xae: {  	[dreg:$0x2] =	wrdreg s2  }
0xaf: {  	[dreg:$0x3] =	wrdreg s24  }
0xb0: {  	[dreg:$0x4] =	wrdreg $0xB7800  }
0xb1: {  	[dreg:$0x5] =	wrdreg $0x9  }
0xb2: {  	_ =	task.clear_ibuf [dreg:s7], $0x6FFFF;
	_ =	strace $0x9000004C  }
0xb3: {  	s29 =	simm.s32 $0x9;
	_ =	strace $0x8000004E  }
0xb4: {  	_ =	swait.ge [sflag:s29], $0x1  }
0xb5: {  	[sflag:s29] =	ssyncadd.s32 $0xFFFFFFFF  }
0xb6: {  	_ =	strace $0x9000004E  }
0xb7: {  	_ =	sfence  }
0xb8: {  	s30 =	sld [smem:$0x0];
	_ =	sdelay $0x2  }
0xb9: {  	s31 =	sshll.u32 s1, $0xD;
	s1 =	sshrl.u32 s1, $0x2  }
0xba: {  	s3 =	sand.u32 $0x4000, s31;
	s1 =	sadd.s32 s1, s30  }
0xbb: {  	s0 =	sor.u32 s3, s0;
	s1 =	sshll.u32 s1, $0x11  }
0xbc: {  	s0 =	sor.u32 s1, s0  }
0xbd: {  	s0 =	sadd.s32 $0x8F2B, s0  }
0xbe: {  	[sflag:s0] =	ssyncadd.remote.s32 $0x1  }
0xbf: {  	_ =	sfence.sel $0xFFFF  }
0xc0: {  	[dreg:$0x0] =	wrdreg $0xFFFFFFFF;
	(pc) =	sbr.abs _section_cstart, $3  }
0xc1: {  	[dreg:$0x1] =	wrdreg $0xFFFFFFFF  }
0xc2: {  	_ =	task.clear_ibuf [dreg:s7], $0x2FFFF;
	_ =	strace $0x9FFFFFFF  }
0xc3: {  	(tm) =	ssettm $0x7FFFFFFF  }
tec
execute0_lowered:
.L_overlay_start_1:
0x0: {  	(tag) =	ssettag $0x1  }
0x1: {  	s1 =	rddreg [dreg:$0x0]  }
0x2: {  	s0 =	srdreg.scid;
	s2 =	rddreg [dreg:$0x1]  }
0x3: {  	s9 =	stileid.u32;
	s3 =	rddreg [dreg:$0x2];
	s30 =	simm.s32 $0x50  }
0x4: {  	s31 =	simm.s32 $0x8F80;
	s0 =	sand.u32 $0x1, s0;
	s7 =	sshll.u32 s9, $0x7  }
0x5: {  	s16 =	smul.u32 $0x14000, s9;
	s4 =	sshll.u32 s0, $0x4;
	s7 =	sand.u32 $0x380, s7  }
0x6: {  	s21 =	smul.u32 $0x140000, s0;
	s0 =	ssub.s32 $0x2, s0;
	s5 =	sor.u32 s9, s4  }
0x7: {  	s4 =	simm.s32 $0x0;
	s24 =	sshrl.u32 s0, $0x1;
	s9 =	smul.u32 $0x50000, s9  }
0x8: {  	s15 =	sor.u32 $0x2800, s16;
	s29 =	sadd.s32 $0x5000, s16;
	s18 =	sadd.s32 $0x7800, s16  }
0x9: {  	s19 =	sadd.s32 $0xA000, s16;
	s22 =	sadd.s32 $0xC800, s16;
	s6 =	sshrl.u32 s5, $0x3  }
0xa: {  	[smem:$0x7FF] =	sst s4;
	s5 =	sshll.u32 s5, $0xB;
	s8 =	sadd.s32 s21, s16  }
0xb: {  	s0 =	ssub.s32 s0, s24;
	s10 =	sadd.s32 s15, s3;
	s11 =	sadd.s32 s29, s3  }
0xc: {  	s12 =	sadd.s32 s18, s3;
	s13 =	sadd.s32 s19, s3;
	s14 =	sadd.s32 s22, s3  }
0xd: {  	s17 =	sadd.s32 s21, s15;
	s24 =	sadd.s32 $0x11800, s16;
	s20 =	sadd.s32 s21, s18  }
0xe: {  	s19 =	sadd.s32 s21, s19;
	s6 =	smul.u32 $0x13C00, s6;
	_ =	strace $0x8000004D  }
0xf: {  	s23 =	sadd.s32 s5, s2;
	s8 =	sshrl.u32 s8, $0x3;
	s28 =	sshrl.u32 s9, $0x2  }
0x10: {  	s17 =	sshrl.u32 s17, $0x3;
	s5 =	sshrl.u32 s20, $0x3;
	s26 =	sadd.s32 $0x2400, s23  }
0x11: {  	s9 =	sadd.s32 s28, s3;
	s23 =	sadd.s32 $0xF000, s16;
	s16 =	sadd.s32 s24, s3  }
0x12: {  	s28 =	sadd.s32 s21, s24;
	s24 =	simm.s32 $0x6780;
	s6 =	sor.u32 s7, s6  }
0x13: {  	[dreg:$0x5] =	wrdreg s26;
	s15 =	sadd.s32 s23, s3;
	s6 =	sshrl.u32 s6, $0x3  }
0x14: {  	s26 =	sadd.s32 s21, s23;
	s6 =	sadd.s32 s6, s2;
	s2 =	sadd.s32 $0x1C200, s2  }
0x15: {  	s23 =	sshrl.u32 s28, $0x3;
	s25 =	sadd.s32 $0x12400, s6;
	s7 =	sadd.s32 s2, s8  }
0x16: {  	s8 =	smax.u32 s0, $0x1;
	s17 =	sadd.s32 s2, s17;
	s0 =	sadd.s32 s21, s29  }
0x17: {  	s6 =	sshrl.u32 s19, $0x3;
	s19 =	sadd.s32 s2, s5;
	s29 =	sshrl.u32 s26, $0x3  }
0x18: {  	s23 =	sadd.s32 s2, s23;
	[dreg:$0x4] =	wrdreg s25;
	s0 =	sshrl.u32 s0, $0x3  }
0x19: {  	s20 =	sadd.s32 s2, s6;
	s25 =	sadd.s32 s21, s22;
	s22 =	sadd.s32 s2, s29  }
0x1a: {  	s18 =	sadd.s32 s2, s0;
	s0 =	sshrl.u32 s25, $0x3;
	s25 =	simm.s32 $0x3  }
0x1b: {  	v0 =	vimm.f32 $0.0e+00;
	s21 =	sadd.s32 s2, s0;
	s2 =	simm.s32 $0x1;
	s0 =	simm.s32 $0x2  }
.LBB2_1:
0x1c: {  	s26 =	simm.s32 $0x0;
	s28 =	simm.s32 $0x200  }
.LBB2_2:
0x1d: {  	p0 =	sne.s32 s28, $0x9E00;
	[tilespmem:s26+$0x67F0] =	vst v0  }
0x1e: {  	[tilespmem:s26+$0x6780] =	vst v0  }
0x1f: {  	[tilespmem:s26+$0x6790] =	vst v0  }
.Ltmp0:
0x20: {  	[tilespmem:s26+$0x67A0] =	vst v0;
	(pc) =	sbr.rel @p0 .LBB2_2-.Ltmp0, $4  }
0x21: {  	[tilespmem:s26+$0x67B0] =	vst v0  }
0x22: {  	[tilespmem:s26+$0x67C0] =	vst v0  }
0x23: {  	[tilespmem:s26+$0x67D0] =	vst v0  }
0x24: {  	[tilespmem:s26+$0x67E0] =	vst v0;
	s26 =	sshra.s32 s28, $0x2;
	s28 =	sadd.s32 $0x200, s28  }
0x25: {  	[tilespmem:s26+$0x67F0] =	vst v0  }
0x26: {  	[tilespmem:s26+$0x6780] =	vst v0  }
0x27: {  	[tilespmem:s26+$0x6790] =	vst v0  }
0x28: {  	[tilespmem:s26+$0x67A0] =	vst v0  }
0x29: {  	[tilespmem:s26+$0x67B0] =	vst v0  }
0x2a: {  	[tilespmem:s26+$0x67C0] =	vst v0  }
0x2b: {  	[tilespmem:s26+$0x67D0] =	vst v0  }
0x2c: {  	[tilespmem:s26+$0x67E0] =	vst v0  }
0x2d: {  	[spmem:s9] =	stream.linear.scatter [tilespmem:s24], [sflag:$0x3], $0x2800, $0x38;
	[tilespmem:$0x1F780] =	vst v63  }
0x2e: {  	_ =	swait.ge [sflag:s25], $0x2800  }
0x2f: {  	[sflag:s25] =	ssyncset.done $0x0  }
0x30: {  	[sflag:s25] =	ssyncadd.s32 $0xFFFFD800  }
0x31: {  	[spmem:s10] =	stream.linear.scatter [tilespmem:s24], [sflag:$0x3], $0x2800, $0x38;
	[tilespmem:$0x1F780] =	vst v63  }
0x32: {  	_ =	swait.ge [sflag:s25], $0x2800  }
0x33: {  	[sflag:s25] =	ssyncset.done $0x0  }
0x34: {  	[sflag:s25] =	ssyncadd.s32 $0xFFFFD800  }
0x35: {  	[spmem:s11] =	stream.linear.scatter [tilespmem:s24], [sflag:$0x3], $0x2800, $0x38;
	[tilespmem:$0x1F780] =	vst v63  }
0x36: {  	_ =	swait.ge [sflag:s25], $0x2800  }
0x37: {  	[sflag:s25] =	ssyncset.done $0x0  }
0x38: {  	[sflag:s25] =	ssyncadd.s32 $0xFFFFD800  }
0x39: {  	[spmem:s12] =	stream.linear.scatter [tilespmem:s24], [sflag:$0x3], $0x2800, $0x38;
	[tilespmem:$0x1F780] =	vst v63  }
0x3a: {  	_ =	swait.ge [sflag:s25], $0x2800  }
0x3b: {  	[sflag:s25] =	ssyncset.done $0x0  }
0x3c: {  	[sflag:s25] =	ssyncadd.s32 $0xFFFFD800  }
0x3d: {  	[spmem:s13] =	stream.linear.scatter [tilespmem:s24], [sflag:$0x3], $0x2800, $0x38;
	[tilespmem:$0x1F780] =	vst v63  }
0x3e: {  	_ =	swait.ge [sflag:s25], $0x2800  }
0x3f: {  	[sflag:s25] =	ssyncset.done $0x0  }
0x40: {  	[sflag:s25] =	ssyncadd.s32 $0xFFFFD800  }
0x41: {  	[spmem:s14] =	stream.linear.scatter [tilespmem:s24], [sflag:$0x3], $0x2800, $0x38;
	[tilespmem:$0x1F780] =	vst v63  }
0x42: {  	_ =	swait.ge [sflag:s25], $0x2800  }
0x43: {  	[sflag:s25] =	ssyncset.done $0x0  }
0x44: {  	[sflag:s25] =	ssyncadd.s32 $0xFFFFD800  }
0x45: {  	[spmem:s15] =	stream.linear.scatter [tilespmem:s24], [sflag:$0x3], $0x2800, $0x38;
	[tilespmem:$0x1F780] =	vst v63  }
0x46: {  	_ =	swait.ge [sflag:s25], $0x2800  }
0x47: {  	[sflag:s25] =	ssyncset.done $0x0  }
0x48: {  	[sflag:s25] =	ssyncadd.s32 $0xFFFFD800  }
0x49: {  	[spmem:s16] =	stream.linear.scatter [tilespmem:s24], [sflag:$0x3], $0x2800, $0x38;
	[tilespmem:$0x1F780] =	vst v63  }
0x4a: {  	_ =	swait.ge [sflag:s25], $0x2800  }
0x4b: {  	s26 =	simm.s32 $0x0;
	s6 =	simm.s32 $0x80;
	[sflag:s25] =	ssyncset.done $0x0  }
0x4c: {  	s28 =	simm.s32 $0x400;
	s5 =	rddreg [dreg:$0x4];
	[sflag:s25] =	ssyncadd.s32 $0xFFFFD800  }
0x4d: {  	[tilespmem:s26], [sflag:$0x3] =	stream.strided.gather [hbm4b:s5+s6], $0x2780, s28, s6, $0x38;
	[tilespmem:$0x1F780] =	vst v63  }
0x4e: {  	_ =	swait.ge [sflag:s25], $0x2780  }
0x4f: {  	[sflag:s25] =	ssyncset.done $0x0  }
0x50: {  	s6 =	simm.s32 $0x2780;
	s5 =	rddreg [dreg:$0x5];
	[sflag:s25] =	ssyncadd.s32 $0xFFFFD880  }
0x51: {  	[tilespmem:s6], [sflag:$0x3] =	stream.linear.gather [hbm4b:s5+s26], $0x3E80, $0x38;
	[tilespmem:$0x1F780] =	vst v63  }
0x52: {  	_ =	swait.ge [sflag:s25], $0x3E80  }
0x53: {  	[sflag:s25] =	ssyncset.done $0x0  }
0x54: {  	[sflag:s25] =	ssyncadd.s32 $0xFFFFC180  }
0x55: {  	[bflag:$0x0] =	sbarrier.arrive $0xFFFF  }
0x56: {  	[tilespmem:s24], [sflag:$0x1] =	stream.indirect.gather [hbm4b:s1+s30], $0x80, s26, s30, $0xb8;
	[tilespmem:$0x1F780] =	vst v63  }
0x57: {  	s5 =	simm.s32 $0x50  }
0x58: {  	[tilespmem:s31], [sflag:$0x2] =	stream.indirect.gather [hbm4b:s1+s30], $0x80, s5, s30, $0xb8;
	[tilespmem:$0x1F780] =	vst v63  }
0x59: {  	_ =	swait.ge [sflag:s2], $0x2800  }
0x5a: {  	[sflag:s2] =	ssyncset.done $0x0  }
0x5b: {  	s6 =	simm.s32 $0x2780;
	[sflag:s2] =	ssyncadd.s32 $0xFFFFD800  }
0x5c: {  	[spmem:s3] =	stream.indirect.scatter.add.f32 [tilespmem:s24], [sflag:$0x3], $0x80, s6, s30, $0xb8;
	[tilespmem:$0x1F780] =	vst v63  }
0x5d: {  	_ =	swait.ge [sflag:s25], $0x2800  }
0x5e: {  	[sflag:s25] =	ssyncset.done $0x0  }
0x5f: {  	s5 =	simm.s32 $0xA0;
	[sflag:s25] =	ssyncadd.s32 $0xFFFFD800  }
0x60: {  	[tilespmem:s24], [sflag:$0x1] =	stream.indirect.gather [hbm4b:s1+s30], $0x80, s5, s30, $0xb8;
	[tilespmem:$0x1F780] =	vst v63  }
0x61: {  	_ =	swait.ge [sflag:s0], $0x2800  }
0x62: {  	[sflag:s0] =	ssyncset.done $0x0  }
0x63: {  	s6 =	simm.s32 $0x2800;
	[sflag:s0] =	ssyncadd.s32 $0xFFFFD800  }
0x64: {  	[spmem:s3] =	stream.indirect.scatter.add.f32 [tilespmem:s31], [sflag:$0x3], $0x80, s6, s30, $0xb8;
	[tilespmem:$0x1F780] =	vst v63  }
0x65: {  	s29 =	simm.s32 $0x400;
	_ =	swait.ge [sflag:s25], $0x2800  }
0x66: {  	s28 =	simm.s32 $0x140;
	s26 =	simm.s32 $0x800;
	[sflag:s25] =	ssyncset.done $0x0  }
.LBB2_4:
0x67: {  	p0 =	sne.s32 s26, $0xF400;
	s5 =	sadd.s32 $0xFFFFFFB0, s28;
	[sflag:s25] =	ssyncadd.s32 $0xFFFFD800  }
0x68: {  	[tilespmem:s31], [sflag:$0x2] =	stream.indirect.gather [hbm4b:s1+s30], $0x80, s5, s30, $0xb8;
	[tilespmem:$0x1F780] =	vst v63  }
0x69: {  	s5 =	smov.u32 s26;
	s26 =	sadd.s32 $0x400, s26;
	_ =	swait.ge [sflag:s2], $0x2800  }
0x6a: {  	s6 =	sshra.s32 s29, $0x2;
	s29 =	smov.u32 s5;
	[sflag:s2] =	ssyncset.done $0x0  }
0x6b: {  	s5 =	sadd.s32 $0x2780, s6;
	[sflag:s2] =	ssyncadd.s32 $0xFFFFD800  }
0x6c: {  	[spmem:s3] =	stream.indirect.scatter.add.f32 [tilespmem:s24], [sflag:$0x3], $0x80, s5, s30, $0xb8;
	[tilespmem:$0x1F780] =	vst v63  }
0x6d: {  	_ =	swait.ge [sflag:s25], $0x2800  }
0x6e: {  	[sflag:s25] =	ssyncset.done $0x0  }
0x6f: {  	[sflag:s25] =	ssyncadd.s32 $0xFFFFD800  }
0x70: {  	[tilespmem:s24], [sflag:$0x1] =	stream.indirect.gather [hbm4b:s1+s30], $0x80, s28, s30, $0xb8;
	[tilespmem:$0x1F780] =	vst v63  }
0x71: {  	_ =	swait.ge [sflag:s0], $0x2800  }
.Ltmp1:
0x72: {  	[sflag:s0] =	ssyncset.done $0x0;
	(pc) =	sbr.rel @p0 .LBB2_4-.Ltmp1, $4  }
0x73: {  	s5 =	sadd.s32 $0x2800, s6;
	[sflag:s0] =	ssyncadd.s32 $0xFFFFD800  }
0x74: {  	[spmem:s3] =	stream.indirect.scatter.add.f32 [tilespmem:s31], [sflag:$0x3], $0x80, s5, s30, $0xb8;
	[tilespmem:$0x1F780] =	vst v63  }
0x75: {  	_ =	swait.ge [sflag:s25], $0x2800  }
0x76: {  	s28 =	sadd.s32 $0xA0, s28;
	[sflag:s25] =	ssyncset.done $0x0  }
0x77: {  	s5 =	sadd.s32 $0xFFFFFFB0, s28;
	[sflag:s25] =	ssyncadd.s32 $0xFFFFD800  }
0x78: {  	[tilespmem:s31], [sflag:$0x2] =	stream.indirect.gather [hbm4b:s1+s30], $0x80, s5, s30, $0xb8;
	[tilespmem:$0x1F780] =	vst v63  }
0x79: {  	_ =	swait.ge [sflag:s2], $0x2800  }
0x7a: {  	s29 =	sshra.s32 s29, $0x2;
	[sflag:s2] =	ssyncset.done $0x0  }
0x7b: {  	s6 =	sadd.s32 $0x2780, s29;
	[sflag:s2] =	ssyncadd.s32 $0xFFFFD800  }
0x7c: {  	[spmem:s3] =	stream.indirect.scatter.add.f32 [tilespmem:s24], [sflag:$0x3], $0x80, s6, s30, $0xb8;
	[tilespmem:$0x1F780] =	vst v63  }
0x7d: {  	_ =	swait.ge [sflag:s25], $0x2800  }
0x7e: {  	[sflag:s25] =	ssyncset.done $0x0  }
0x7f: {  	[sflag:s25] =	ssyncadd.s32 $0xFFFFD800  }
0x80: {  	[tilespmem:s24], [sflag:$0x1] =	stream.indirect.gather [hbm4b:s1+s30], $0x80, s28, s30, $0xb8;
	[tilespmem:$0x1F780] =	vst v63  }
0x81: {  	_ =	swait.ge [sflag:s0], $0x2800  }
0x82: {  	[sflag:s0] =	ssyncset.done $0x0  }
0x83: {  	s5 =	sadd.s32 $0x2800, s29;
	[sflag:s0] =	ssyncadd.s32 $0xFFFFD800  }
0x84: {  	[spmem:s3] =	stream.indirect.scatter.add.f32 [tilespmem:s31], [sflag:$0x3], $0x80, s5, s30, $0xb8;
	[tilespmem:$0x1F780] =	vst v63  }
0x85: {  	_ =	swait.ge [sflag:s25], $0x2800  }
0x86: {  	[sflag:s25] =	ssyncset.done $0x0  }
0x87: {  	[sflag:s25] =	ssyncadd.s32 $0xFFFFD800  }
0x88: {  	_ =	swait.ge [sflag:s2], $0x2800  }
0x89: {  	[sflag:s2] =	ssyncset.done $0x0  }
0x8a: {  	s6 =	simm.s32 $0x6580;
	[sflag:s2] =	ssyncadd.s32 $0xFFFFD800  }
0x8b: {  	[spmem:s3] =	stream.indirect.scatter.add.f32 [tilespmem:s24], [sflag:$0x3], $0x80, s6, s30, $0xb8;
	[tilespmem:$0x1F780] =	vst v63  }
0x8c: {  	_ =	swait.ge [sflag:s25], $0x2800  }
0x8d: {  	s26 =	stileid.u32;
	[sflag:s25] =	ssyncset.done $0x0  }
0x8e: {  	s5 =	sshll.u32 s26, $0x6;
	[sflag:s25] =	ssyncadd.s32 $0xFFFFD800  }
0x8f: {  	s28 =	sshrl.u32 s9, $0x3;
	s5 =	sor.u32 $0x1C03, s5;
	[bflag:$0x0] =	sbarrier.arrive $0xFFFF  }
0x90: {  	[hbm:s7], [sflag:s5] =	dma.local [spmem:s28], $0x500  }
0x91: {  	_ =	swait.ge [sflag:s25], $0x500  }
0x92: {  	[sflag:s25] =	ssyncset.done $0x0  }
0x93: {  	s29 =	sshrl.u32 s10, $0x3;
	[sflag:s25] =	ssyncadd.s32 $0xFFFFFB00  }
0x94: {  	[hbm:s17], [sflag:s5] =	dma.local [spmem:s29], $0x500  }
0x95: {  	_ =	swait.ge [sflag:s25], $0x500  }
0x96: {  	[sflag:s25] =	ssyncset.done $0x0  }
0x97: {  	s26 =	sshrl.u32 s11, $0x3;
	[sflag:s25] =	ssyncadd.s32 $0xFFFFFB00  }
0x98: {  	[hbm:s18], [sflag:s5] =	dma.local [spmem:s26], $0x500  }
0x99: {  	_ =	swait.ge [sflag:s25], $0x500  }
0x9a: {  	[sflag:s25] =	ssyncset.done $0x0  }
0x9b: {  	s28 =	sshrl.u32 s12, $0x3;
	[sflag:s25] =	ssyncadd.s32 $0xFFFFFB00  }
0x9c: {  	[hbm:s19], [sflag:s5] =	dma.local [spmem:s28], $0x500  }
0x9d: {  	_ =	swait.ge [sflag:s25], $0x500  }
0x9e: {  	[sflag:s25] =	ssyncset.done $0x0  }
0x9f: {  	s29 =	sshrl.u32 s13, $0x3;
	[sflag:s25] =	ssyncadd.s32 $0xFFFFFB00  }
0xa0: {  	[hbm:s20], [sflag:s5] =	dma.local [spmem:s29], $0x500  }
0xa1: {  	_ =	swait.ge [sflag:s25], $0x500  }
0xa2: {  	[sflag:s25] =	ssyncset.done $0x0  }
0xa3: {  	s26 =	sshrl.u32 s14, $0x3;
	[sflag:s25] =	ssyncadd.s32 $0xFFFFFB00  }
0xa4: {  	[hbm:s21], [sflag:s5] =	dma.local [spmem:s26], $0x500  }
0xa5: {  	_ =	swait.ge [sflag:s25], $0x500  }
0xa6: {  	[sflag:s25] =	ssyncset.done $0x0  }
0xa7: {  	s28 =	sshrl.u32 s15, $0x3;
	[sflag:s25] =	ssyncadd.s32 $0xFFFFFB00  }
0xa8: {  	[hbm:s22], [sflag:s5] =	dma.local [spmem:s28], $0x500  }
0xa9: {  	s4 =	sadd.s32 $0x1, s4;
	_ =	swait.ge [sflag:s25], $0x500  }
0xaa: {  	p0 =	sne.s32 s4, s8;
	[sflag:s25] =	ssyncset.done $0x0  }
.Ltmp2:
0xab: {  	s29 =	sshrl.u32 s16, $0x3;
	[sflag:s25] =	ssyncadd.s32 $0xFFFFFB00;
	(pc) =	sbr.rel @p0 .LBB2_1-.Ltmp2, $4  }
0xac: {  	[hbm:s23], [sflag:s5] =	dma.local [spmem:s29], $0x500  }
0xad: {  	_ =	swait.ge [sflag:s25], $0x500  }
0xae: {  	[sflag:s25] =	ssyncset.done $0x0  }
0xaf: {  	[sflag:s25] =	ssyncadd.s32 $0xFFFFFB00  }
0xb0: {  	_ =	sfence.sel $0x180000  }
0xb1: {  	[bflag:$0x0] =	sbarrier.arrive $0xFFFF  }
0xb2: {  	_ =	strace $0x9000004D  }
0xb3: {  	s0 =	stileid.u32;
	[bflag:$0x2] =	sbarrier.arrive $0xFFFF  }
0xb4: {  	p0 =	sne.s32 s0, $0x0;
	s0 =	rddreg [dreg:$0x3]  }
0xb5: {  	s0 =	sadd.s32 @!p0 $0x100000, s0  }
0xb6: {  	[sflag:s0] =	ssyncadd.tile.s32 @!p0 $0x1;
	_ =	shalt  }
.Lfunc_end2:
_tile_overlayer_lowered:
.L_overlay_start_2:
0xb7: {  	(tag) =	ssettag $0x2  }
0xb8: {  	s0 =	rddreg [dreg:$0x0];
	s2 =	stileid.u32  }
0xb9: {  	s1 =	rddreg [dreg:$0x1];
	p0 =	sne.s32 s2, $0x0  }
0xba: {  	s3 =	rddreg [dreg:$0x2];
	[bflag:$0x3] =	sbarrier.arrive $0xFFFF;
	s2 =	simm.s32 @!p0 $0x1C03  }
0xbb: {  	[timem:s3], [sflag:s2] =	dma.local @!p0 [hbm:s0], s1  }
0xbc: {  	s0 =	simm.s32 @!p0 $0x3  }
0xbd: {  	_ =	swait.ge @!p0 [sflag:s0], s1  }
0xbe: {  	s1 =	ssub.s32 @!p0 $0x0, s1;
	[sflag:s0] =	ssyncset.done @!p0 $0x0  }
0xbf: {  	[sflag:s0] =	ssyncadd.s32 @!p0 s1  }
0xc0: {  	[bflag:$0x3] =	sbarrier.arrive $0xFFFF  }
0xc1: {  	_ =	shalt  }

// kernel: sage_deg.3.cloned.1.call-start
scs
__scs_entry_jumppad:
0x0: {  	(pc) =	sbr.rel $0x88, $3  }
0x1: {  	(tag) =	ssettag $0x0;
	lr =	simm.s32 $0x1  }
0x2: {  	[smem:$0x3F97] =	sst lr;
	_ =	strace $0xD0000000  }
0x3: {  	_ = 	snop  }
0x4: {  	_ = 	snop  }
0x5: {  	_ = 	snop  }
0x6: {  	_ = 	snop  }
0x7: {  	_ = 	snop  }
__scs_overlays_trampoline_lowered:
0x8: {  	[smem:$0x3FA6] =	sst s0  }
0x9: {  	[smem:$0x3FA7] =	sst s1  }
0xa: {  	[smem:$0x3FA8] =	sst s2  }
0xb: {  	[smem:$0x3FA9] =	sst s3  }
0xc: {  	[smem:$0x3FAA] =	sst s4  }
0xd: {  	[smem:$0x3FAB] =	sst s5  }
0xe: {  	[smem:$0x3FAC] =	sst s6  }
0xf: {  	[smem:$0x3FAD] =	sst s7  }
0x10: {  	[smem:$0x3FAE] =	sst s8  }
0x11: {  	[smem:$0x3FAF] =	sst s9;
	s0 =	simm.s32 @!p0 $0x0  }
0x12: {  	s1 =	sld [smem:$0x3F95];
	s0 =	simm.s32 @p0 $0x1  }
0x13: {  	[smem:$0x3FB0] =	sst s0;
	s0 =	simm.s32 @!p1 $0x0  }
0x14: {  	s2 =	sld [smem:$0x3F94];
	s0 =	simm.s32 @p1 $0x1  }
0x15: {  	[smem:$0x3FB1] =	sst s0;
	s0 =	simm.s32 @!p2 $0x0  }
0x16: {  	s3 =	sld [smem:$0x3FDB];
	s0 =	simm.s32 @p2 $0x1  }
0x17: {  	s4 =	simm.s32 $0x1BF5;
	[smem:$0x3FB3] =	sst s0  }
0x18: {  	s0 =	sld [smem:$0x3F96];
	_ =	swait.ge [sflag:s4], $0x0  }
0x19: {  	s7 =	sld [smem:$0x3F97]  }
0x1a: {  	s8 =	sadd.s32 $0xFFFFE003, lr  }
0x1b: {  	s9 =	sadd.s32 $0xFFFFFEF7, lr;
	s5 =	simm.s32 $0xFFFFFFFF;
	p2 =	slt.u32 s8, $0xFFFFF086  }
0x1c: {  	p1 =	slt.u32 s9, $0xF7A;
	s5 =	simm.s32 @!p2 $0x0  }
0x1d: {  	s5 =	simm.s32 @p1 $0x1;
	p0 =	seq.s32 s7, s2  }
0x1e: {  	s7 =	smul.u32 @!p0 $0xF7A, s2;
	p2 =	seq.s32 @!p0 s5, $0x0  }
0x1f: {  	s9 =	smul.u32 $0xF7A, s1;
	s8 =	simm.s32 @!p0 $0x1BF5;
	p2 =	por !p2, p0  }
0x20: {  	[sflag:s8] =	ssyncset.s32 @!p0 $0xFFFFF086;
	s6 =	sadd.s32 @!p0 s3, s7;
	s7 =	simm.s32 @!p0 $0x108  }
0x21: {  	s3 =	sadd.s32 s3, s9;
	s6 =	sadd.s32 @!p0 $0x88, s6;
	s7 =	simm.s32 @p2 $0x1082  }
0x22: {  	[simem:s7], [sflag:s8] =	dma.local @!p0 [hbm:s6], $0xF7A  }
0x23: {  	s9 =	sor.u32 $0xD0000000, s2;
	s6 =	simm.s32 $0x108;
	_ =	swait.ge @!p0 [sflag:s8], $0x0  }
0x24: {  	s3 =	sadd.s32 $0x88, s3;
	s6 =	simm.s32 @!p1 $0x1082;
	[sflag:s4] =	ssyncset.s32 $0xFFFFF086  }
0x25: {  	[simem:s6], [sflag:s4] =	dma.local [hbm:s3], $0xF7A  }
0x26: {  	[smem:$0x3F97] =	sst s1;
	(tag) =	ssettag s2;
	_ =	strace s9  }
0x27: {  	s1 =	sld [smem:$0x3FA7]  }
0x28: {  	s2 =	sld [smem:$0x3FA8]  }
0x29: {  	s4 =	sld [smem:$0x3FAA]  }
0x2a: {  	p0 =	seq.s32 s5, $0x0;
	s5 =	sld [smem:$0x3FAB]  }
0x2b: {  	s6 =	sld [smem:$0x3FAC]  }
0x2c: {  	s7 =	sld [smem:$0x3FAD]  }
0x2d: {  	s3 =	simm.s32 $0x108;
	s8 =	sld [smem:$0x3FAE]  }
0x2e: {  	s3 =	simm.s32 @!p0 $0x1082;
	s9 =	sld [smem:$0x3FAF]  }
0x2f: {  	lr =	sadd.s32 s0, s3;
	s0 =	sld [smem:$0x3FA6]  }
0x30: {  	s3 =	sld [smem:$0x3FA9]  }
0x31: {  	[smem:$0x3FB2] =	sst s10  }
0x32: {  	s10 =	sld [smem:$0x3FB0];
	_ =	sdelay $0x3  }
0x33: {  	p0 =	seq.s32 s10, $0x1;
	s10 =	sld [smem:$0x3FB2];
	_ =	sdelay $0x3  }
0x34: {  	[smem:$0x3FB2] =	sst s10  }
0x35: {  	s10 =	sld [smem:$0x3FB1];
	_ =	sdelay $0x3  }
0x36: {  	p1 =	seq.s32 s10, $0x1;
	s10 =	sld [smem:$0x3FB2];
	_ =	sdelay $0x3  }
0x37: {  	[smem:$0x3FB2] =	sst s10  }
0x38: {  	s10 =	sld [smem:$0x3FB3]  }
0x39: {  	_ = 	snop;
	(pc) =	sbr.ind lr, $3  }
0x3a: {  	_ = 	snop  }
0x3b: {  	_ = 	snop  }
0x3c: {  	p2 =	seq.s32 s10, $0x1;
	s10 =	sld [smem:$0x3FB2]  }
0x3d: {  	_ =	shalt  }
0x3e: {  	_ =	shalt  }
0x3f: {  	_ =	shalt  }
0x40: {  	_ =	shalt  }
0x41: {  	_ =	shalt  }
0x42: {  	_ =	shalt  }
0x43: {  	_ =	shalt  }
0x44: {  	_ =	shalt  }
0x45: {  	_ =	shalt  }
0x46: {  	_ =	shalt  }
0x47: {  	_ =	shalt  }
0x48: {  	_ =	shalt  }
0x49: {  	_ =	shalt  }
0x4a: {  	_ =	shalt  }
0x4b: {  	_ =	shalt  }
0x4c: {  	_ =	shalt  }
0x4d: {  	_ =	shalt  }
0x4e: {  	_ =	shalt  }
0x4f: {  	_ =	shalt  }
0x50: {  	_ =	shalt  }
0x51: {  	_ =	shalt  }
0x52: {  	_ =	shalt  }
0x53: {  	_ =	shalt  }
0x54: {  	_ =	shalt  }
0x55: {  	_ =	shalt  }
0x56: {  	_ =	shalt  }
0x57: {  	_ =	shalt  }
0x58: {  	_ =	shalt  }
0x59: {  	_ =	shalt  }
0x5a: {  	_ =	shalt  }
0x5b: {  	_ =	shalt  }
0x5c: {  	_ =	shalt  }
0x5d: {  	_ =	shalt  }
0x5e: {  	_ =	shalt  }
0x5f: {  	_ =	shalt  }
0x60: {  	_ =	shalt  }
0x61: {  	_ =	shalt  }
0x62: {  	_ =	shalt  }
0x63: {  	_ =	shalt  }
0x64: {  	_ =	shalt  }
0x65: {  	_ =	shalt  }
0x66: {  	_ =	shalt  }
0x67: {  	_ =	shalt  }
0x68: {  	_ =	shalt  }
0x69: {  	_ =	shalt  }
0x6a: {  	_ =	shalt  }
0x6b: {  	_ =	shalt  }
0x6c: {  	_ =	shalt  }
0x6d: {  	_ =	shalt  }
0x6e: {  	_ =	shalt  }
0x6f: {  	_ =	shalt  }
0x70: {  	_ =	shalt  }
0x71: {  	_ =	shalt  }
0x72: {  	_ =	shalt  }
0x73: {  	_ =	shalt  }
0x74: {  	_ =	shalt  }
0x75: {  	_ =	shalt  }
0x76: {  	_ =	shalt  }
0x77: {  	_ =	shalt  }
0x78: {  	_ =	shalt  }
0x79: {  	_ =	shalt  }
0x7a: {  	_ =	shalt  }
0x7b: {  	_ =	shalt  }
0x7c: {  	_ =	shalt  }
0x7d: {  	_ =	shalt  }
0x7e: {  	_ =	shalt  }
0x7f: {  	_ =	shalt  }
0x80: {  	_ =	shalt  }
0x81: {  	_ =	shalt  }
0x82: {  	_ =	shalt  }
0x83: {  	_ =	shalt  }
0x84: {  	_ =	shalt  }
0x85: {  	_ =	shalt  }
0x86: {  	_ =	shalt  }
0x87: {  	_ =	shalt  }
.Lfunc_end0:
.L_simem_size_0:
called_computation_lowered:
.L_overlay_start_0:
0x88: {  	s2 =	sld [smem:$0x3FD9]  }
0x89: {  	s3 =	sld [smem:$0x3FFE];
	_ =	sdelay $0x1  }
0x8a: {  	s1 =	srdreg.scid  }
0x8b: {  	s0 =	sand.u32 $0x1, s1  }
0x8c: {  	s17 =	sshll.u32 s0, $0xA;
	s2 =	sadd.s32 s3, s2  }
0x8d: {  	s2 =	sadd.s32 s2, s17  }
0x8e: {  	[smem:$0x3FBE] =	sst s2  }
0x8f: {  	_ = 	snop  }
0x90: {  	s2 =	sld [smem:$0x3FD0];
	(tm) =	ssettm $0x1  }
0x91: {  	s18 =	sld [smem:$0x3FFB];
	_ =	sdelay $0x3  }
0x92: {  	_ =	strace s18  }
0x93: {  	s3 =	sld [smem:$0x3FFC];
	_ =	sdelay $0x3  }
0x94: {  	_ =	strace s3  }
0x95: {  	s3 =	sld [smem:$0x3FFD];
	_ =	sdelay $0x3  }
0x96: {  	_ =	strace s3  }
0x97: {  	_ =	strace $0x8FFFFFFF  }
0x98: {  	s19 =	sld [smem:$0x3FDB];
	_ =	sdelay $0x1  }
0x99: {  	s4 =	simm.s32 $_scs_section_size  }
0x9a: {  	s5 =	simm.s32 $_size__tile_overlayer_lowered;
	s6 =	simm.s32 $_tile_overlayer_lowered  }
0x9b: {  	s22 =	simm.s32 $0x1BFF;
	s21 =	sshll.u32 s6, $0x1;
	s3 =	sadd.s32 s4, s19  }
0x9c: {  	s7 =	simm.s32 $0x0;
	s20 =	sshll.u32 s5, $0x1;
	s5 =	sadd.s32 s21, s3  }
0x9d: {  	[timem:s7], [sflag:s22] =	dma.local [hbm:s5], s20  }
0x9e: {  	_ =	swait.ge [sflag:s22], s20  }
0x9f: {  	s4 =	ssub.s32 $0x0, s20;
	[sflag:s22] =	ssyncset.done $0x0  }
0xa0: {  	[sflag:s22] =	ssyncadd.s32 s4;
	_ =	sdelay $0x1  }
0xa1: {  	s23 =	simm.s32 $0x1B8B  }
0xa2: {  	_ =	swait.ge [sflag:s23], $0x1  }
0xa3: {  	[sflag:s23] =	ssyncset.done $0x0  }
0xa4: {  	s25 =	simm.s32 $0x1B8E;
	s24 =	sld [smem:$0x3FFE];
	[sflag:s23] =	ssyncadd.s32 $0xFFFFFFFF  }
0xa5: {  	s26 =	simm.s32 $execute0_lowered;
	[smem:$0x3FD2] =	sst s25  }
0xa6: {  	s5 =	sshll.u32 s26, $0x1;
	_ =	strace $0x80000046;
	[dreg:$0x1] =	wrdreg $0xFFFFFFFF  }
0xa7: {  	s28 =	simm.s32 $_size_execute0_lowered;
	s3 =	sadd.s32 s3, s5;
	[dreg:$0x0] =	wrdreg $0x0  }
0xa8: {  	s5 =	sshll.u32 s28, $0x1;
	[dreg:$0x2] =	wrdreg s3  }
0xa9: {  	[dreg:$0x3] =	wrdreg s5  }
0xaa: {  	[dreg:$0x4] =	wrdreg $0xC0  }
0xab: {  	_ =	task [dreg:s7], $0x5FFFF  }
0xac: {  	[dreg:$0x1] =	wrdreg $0xFFFFFFFF  }
0xad: {  	[dreg:$0x0] =	wrdreg $0x60  }
0xae: {  	[dreg:$0x2] =	wrdreg s24  }
0xaf: {  	[dreg:$0x3] =	wrdreg s2  }
0xb0: {  	[dreg:$0x4] =	wrdreg $0x42800  }
0xb1: {  	[dreg:$0x5] =	wrdreg $0x9  }
0xb2: {  	_ =	task.clear_ibuf [dreg:s7], $0x6FFFF;
	_ =	strace $0x90000046  }
0xb3: {  	s29 =	simm.s32 $0x9;
	_ =	strace $0x80000048  }
0xb4: {  	_ =	swait.ge [sflag:s29], $0x1  }
0xb5: {  	[sflag:s29] =	ssyncadd.s32 $0xFFFFFFFF  }
0xb6: {  	_ =	strace $0x90000048  }
0xb7: {  	_ =	sfence  }
0xb8: {  	s30 =	sld [smem:$0x0];
	_ =	sdelay $0x2  }
0xb9: {  	s31 =	sshll.u32 s1, $0xD;
	s1 =	sshrl.u32 s1, $0x2  }
0xba: {  	s3 =	sand.u32 $0x4000, s31;
	s1 =	sadd.s32 s1, s30  }
0xbb: {  	s0 =	sor.u32 s3, s0;
	s1 =	sshll.u32 s1, $0x11  }
0xbc: {  	s0 =	sor.u32 s1, s0  }
0xbd: {  	s0 =	sadd.s32 $0x8F2B, s0  }
0xbe: {  	[sflag:s0] =	ssyncadd.remote.s32 $0x1  }
0xbf: {  	_ =	sfence.sel $0xFFFF  }
0xc0: {  	[dreg:$0x0] =	wrdreg $0xFFFFFFFF;
	(pc) =	sbr.abs _section_cstart, $3  }
0xc1: {  	[dreg:$0x1] =	wrdreg $0xFFFFFFFF  }
0xc2: {  	_ =	task.clear_ibuf [dreg:s7], $0x2FFFF;
	_ =	strace $0x9FFFFFFF  }
0xc3: {  	(tm) =	ssettm $0x7FFFFFFF  }
tec
execute0_lowered:
.L_overlay_start_1:
0x0: {  	(tag) =	ssettag $0x1  }
0x1: {  	s4 =	rddreg [dreg:$0x0]  }
0x2: {  	s6 =	rddreg [dreg:$0x1]  }
0x3: {  	s1 =	rddreg [dreg:$0x2]  }
0x4: {  	s0 =	rddreg [dreg:$0x3];
	s3 =	simm.s32 $0x0;
	s5 =	srdreg.scid  }
0x5: {  	s2 =	stileid.u32;
	s13 =	simm.s32 $0x20;
	s14 =	simm.s32 $0x10  }
0x6: {  	s15 =	simm.s32 $0x0;
	[smem:$0x7FF] =	sst s3;
	s8 =	smul.u32 $0xA00, s2  }
0x7: {  	s5 =	sand.u32 $0x1, s5;
	s9 =	sshll.u32 s2, $0xB;
	s11 =	smul.u32 $0x500, s2  }
0x8: {  	s31 =	sshll.u32 s2, $0x6;
	_ =	strace $0x80000047;
	s7 =	ssub.s32 $0x2, s5  }
0x9: {  	s9 =	sadd.s32 s9, s4;
	s28 =	sshll.u32 s5, $0x7;
	s5 =	sshll.u32 s5, $0xF  }
0xa: {  	s10 =	sshrl.u32 s7, $0x1;
	s8 =	sshrl.u32 s8, $0x2;
	s29 =	sor.u32 s28, s11  }
0xb: {  	s5 =	sadd.s32 s5, s9;
	s9 =	simm.s32 $0x1;
	s11 =	sor.u32 $0x1C01, s31  }
0xc: {  	s7 =	ssub.s32 s7, s10;
	s4 =	sadd.s32 s8, s1;
	s30 =	sshrl.u32 s29, $0x3  }
0xd: {  	s5 =	sadd.s32 $0x2400, s5;
	s8 =	simm.s32 $0x4000;
	s10 =	simm.s32 $0x50  }
0xe: {  	v0 =	vimm.f32 $0.0e+00;
	v1 =	vimm.f32 $1.000000000e+00;
	s6 =	sadd.s32 s6, s30;
	s7 =	smax.u32 s7, $0x1;
	s12 =	sshrl.u32 s4, $0x3  }
.LBB2_1:
0xf: {  	[tilespmem:$0x4000] =	vst v0  }
0x10: {  	[tilespmem:$0x4010] =	vst v0  }
0x11: {  	[tilespmem:$0x4020] =	vst v0  }
0x12: {  	[tilespmem:$0x4030] =	vst v0  }
0x13: {  	[tilespmem:$0x4040] =	vst v0  }
0x14: {  	[tilespmem:$0x4050] =	vst v0  }
0x15: {  	[tilespmem:$0x4060] =	vst v0  }
0x16: {  	[tilespmem:$0x4070] =	vst v0  }
0x17: {  	[tilespmem:$0x4080] =	vst v0  }
0x18: {  	[tilespmem:$0x4090] =	vst v0  }
0x19: {  	[tilespmem:$0x40A0] =	vst v0  }
0x1a: {  	[tilespmem:$0x40B0] =	vst v0  }
0x1b: {  	[tilespmem:$0x40C0] =	vst v0  }
0x1c: {  	[tilespmem:$0x40D0] =	vst v0  }
0x1d: {  	[tilespmem:$0x40E0] =	vst v0  }
0x1e: {  	[tilespmem:$0x40F0] =	vst v0  }
0x1f: {  	[tilespmem:$0x4100] =	vst v0  }
0x20: {  	[tilespmem:$0x4110] =	vst v0  }
0x21: {  	[tilespmem:$0x4120] =	vst v0  }
0x22: {  	[tilespmem:$0x4130] =	vst v0  }
0x23: {  	[tilespmem:$0x4140] =	vst v0  }
0x24: {  	[tilespmem:$0x4150] =	vst v0  }
0x25: {  	[tilespmem:$0x4160] =	vst v0  }
0x26: {  	[tilespmem:$0x4170] =	vst v0  }
0x27: {  	[tilespmem:$0x4180] =	vst v0  }
0x28: {  	[tilespmem:$0x4190] =	vst v0  }
0x29: {  	[tilespmem:$0x41A0] =	vst v0  }
0x2a: {  	[tilespmem:$0x41B0] =	vst v0  }
0x2b: {  	[tilespmem:$0x41C0] =	vst v0  }
0x2c: {  	[tilespmem:$0x41D0] =	vst v0  }
0x2d: {  	[tilespmem:$0x41E0] =	vst v0  }
0x2e: {  	[tilespmem:$0x41F0] =	vst v0  }
0x2f: {  	[tilespmem:$0x4200] =	vst v0  }
0x30: {  	[tilespmem:$0x4210] =	vst v0  }
0x31: {  	[tilespmem:$0x4220] =	vst v0  }
0x32: {  	[tilespmem:$0x4230] =	vst v0  }
0x33: {  	[tilespmem:$0x4240] =	vst v0  }
0x34: {  	[tilespmem:$0x4250] =	vst v0  }
0x35: {  	[tilespmem:$0x4260] =	vst v0  }
0x36: {  	[tilespmem:$0x4270] =	vst v0  }
0x37: {  	[spmem:s4] =	stream.linear.scatter [tilespmem:s8], [sflag:$0x1], $0x280, $0x38;
	[tilespmem:$0x4500] =	vst v63  }
0x38: {  	_ =	swait.ge [sflag:s9], $0x280  }
0x39: {  	[sflag:s9] =	ssyncset.done $0x0  }
0x3a: {  	[sflag:s9] =	ssyncadd.s32 $0xFFFFFD80  }
0x3b: {  	[tilespmem:$0x4000] =	vst v1  }
0x3c: {  	[tilespmem:$0x4010] =	vst v1  }
0x3d: {  	[tilespmem:$0x4020] =	vst v1  }
0x3e: {  	[tilespmem:$0x4030] =	vst v1  }
0x3f: {  	[tilespmem:$0x4040] =	vst v1  }
0x40: {  	[tilespmem:s3], [sflag:$0x1] =	stream.linear.gather [hbm4b:s5+s3], $0x3E80, $0x38;
	[tilespmem:$0x4500] =	vst v63  }
0x41: {  	_ =	swait.ge [sflag:s9], $0x3E80  }
0x42: {  	[sflag:s9] =	ssyncset.done $0x0  }
0x43: {  	[sflag:s9] =	ssyncadd.s32 $0xFFFFC180  }
0x44: {  	s16 =	simm.s32 $0x0;
	[bflag:$0x0] =	sbarrier.arrive $0xFFFF  }
0x45: {  	[spmem:s1] =	stream.indirect.scatter.add.f32 [tilespmem:s8], [sflag:$0x1], $0x1, s16, s10, $0xb8;
	[tilespmem:$0x4500] =	vst v63  }
0x46: {  	_ =	swait.ge [sflag:s9], $0x50  }
0x47: {  	s16 =	simm.s32 $0x200;
	[sflag:s9] =	ssyncset.done $0x0  }
.LBB2_2:
0x48: {  	s17 =	sshra.s32 s16, $0x2;
	[sflag:s9] =	ssyncadd.s32 $0xFFFFFFB0;
	p0 =	sne.s32 s16, $0xF800  }
0x49: {  	[spmem:s1] =	stream.indirect.scatter.add.f32 [tilespmem:s8], [sflag:$0x1], $0x1, s17, s10, $0xb8;
	[tilespmem:$0x4500] =	vst v63  }
.Ltmp0:
0x4a: {  	_ = 	snop;
	(pc) =	sbr.rel @p0 .LBB2_2-.Ltmp0, $4  }
0x4b: {  	_ = 	snop  }
0x4c: {  	s16 =	sadd.s32 $0x200, s16  }
0x4d: {  	_ =	swait.ge [sflag:s9], $0x50  }
0x4e: {  	[sflag:s9] =	ssyncset.done $0x0  }
0x4f: {  	s15 =	sadd.s32 $0x1, s15  }
0x50: {  	[sflag:s9] =	ssyncadd.s32 $0xFFFFFFB0;
	p0 =	sne.s32 s15, s7  }
.Ltmp1:
0x51: {  	[bflag:$0x0] =	sbarrier.arrive $0xFFFF;
	(pc) =	sbr.rel @p0 .LBB2_1-.Ltmp1, $4  }
0x52: {  	[hbm:s6@s13], [sflag:s11] =	dma.strided [spmem:s12@s14], $0x50, s9, $0x10   }
0x53: {  	_ =	swait.ge [sflag:s9], $0x50  }
0x54: {  	[sflag:s9] =	ssyncset.done $0x0  }
0x55: {  	[sflag:s9] =	ssyncadd.s32 $0xFFFFFFB0  }
0x56: {  	_ =	sfence.sel $0x180000  }
0x57: {  	[bflag:$0x0] =	sbarrier.arrive $0xFFFF  }
0x58: {  	p0 =	sne.s32 s2, $0x0;
	_ =	strace $0x90000047  }
0x59: {  	s0 =	sadd.s32 @!p0 $0x100000, s0;
	[bflag:$0x2] =	sbarrier.arrive $0xFFFF  }
0x5a: {  	[sflag:s0] =	ssyncadd.tile.s32 @!p0 $0x1;
	_ =	shalt  }
.Lfunc_end2:
_tile_overlayer_lowered:
.L_overlay_start_2:
0x5b: {  	(tag) =	ssettag $0x2  }
0x5c: {  	s0 =	rddreg [dreg:$0x0];
	s2 =	stileid.u32  }
0x5d: {  	s1 =	rddreg [dreg:$0x1];
	p0 =	sne.s32 s2, $0x0  }
0x5e: {  	s3 =	rddreg [dreg:$0x2];
	[bflag:$0x3] =	sbarrier.arrive $0xFFFF;
	s2 =	simm.s32 @!p0 $0x1C01  }
0x5f: {  	[timem:s3], [sflag:s2] =	dma.local @!p0 [hbm:s0], s1  }
0x60: {  	s0 =	simm.s32 @!p0 $0x1  }
0x61: {  	_ =	swait.ge @!p0 [sflag:s0], s1  }
0x62: {  	s1 =	ssub.s32 @!p0 $0x0, s1;
	[sflag:s0] =	ssyncset.done @!p0 $0x0  }
0x63: {  	[sflag:s0] =	ssyncadd.s32 @!p0 s1  }
0x64: {  	[bflag:$0x3] =	sbarrier.arrive $0xFFFF  }
0x65: {  	_ =	shalt  }

</sc_bundles>
